<compile_context>
chip_gen: v7x
topology: tpu7x:2x2x1
jax: 0.10.2.dev20260603
libtpu: 0.0.44.dev20260713+nightly
codegen_flags: <defaults>
</compile_context>

<pallas_src>
import dataclasses

import jax
import jax.numpy as jnp
from jax import lax
from jax.experimental import pallas as pl
from jax.experimental.pallas import tpu as pltpu
from jax.experimental.pallas import tpu_sc as plsc

_B = 4096
_F = 26
_V = 100000
_D = 16
_C = 13
_H = 128
_EPS = 1e-5

_NC = 2
_NS = 16
_NW = _NC * _NS
_BROWS = _B // _NW
_CHUNK = 32
_NCHUNK = _BROWS // _CHUNK

_HI = jax.lax.Precision.HIGHEST


_LPW = _B * _F // _NW
_GRP = 16
_NG = _LPW // _GRP


def _gather_body(emb2_hbm, emb1_hbm, idx_hbm, o2_hbm, o1_hbm,
                 idx_v, e2_v, e1_v8, e1c_v, sem2, sem1):
    wid = lax.axis_index("s") * _NC + lax.axis_index("c")
    j0 = wid * _LPW

    pltpu.sync_copy(idx_hbm.at[pl.ds(j0, _LPW)], idx_v)

    @pl.loop(0, _NG)
    def _(g):
        base = g * _GRP
        vreg = idx_v[pl.ds(base, _GRP)]
        for t in range(_GRP):
            k = vreg[t]
            pltpu.make_async_copy(
                emb2_hbm.at[k],
                e2_v.at[pl.ds((base + t) * _D, _D)],
                sem2,
            ).start()
            k8 = (k >> 3) * 8
            pltpu.make_async_copy(
                emb1_hbm.at[pl.ds(k8, 8)],
                e1_v8.at[pl.ds((base + t) * 8, 8)],
                sem1,
            ).start()

    pltpu.make_async_copy(o2_hbm.at[pl.ds(j0 * _D, _LPW * _D)], e2_v,
                          sem2).wait()
    pltpu.make_async_copy(o2_hbm.at[pl.ds(0, _LPW * 8)], e1_v8, sem1).wait()

    @pl.loop(0, _NG)
    def _(g):
        base = g * _GRP
        vreg = idx_v[pl.ds(base, _GRP)]
        sel = (jax.lax.iota(jnp.int32, _GRP) + base) * 8 + (vreg & 7)
        e1c_v[pl.ds(base, _GRP)] = plsc.load_gather(e1_v8, [sel])

    pltpu.sync_copy(e2_v, o2_hbm.at[pl.ds(j0 * _D, _LPW * _D)])
    pltpu.sync_copy(e1c_v, o1_hbm.at[pl.ds(j0, _LPW)])


def _sc_gather(emb2f, emb1f, idx):
    mesh = plsc.VectorSubcoreMesh(core_axis_name="c", subcore_axis_name="s")
    cp = pltpu.CompilerParams(use_tc_tiling_on_sc=False)
    if "needs_layout_passes" in pltpu.CompilerParams.__dataclass_fields__:
        cp = dataclasses.replace(cp, needs_layout_passes=False)
    k = pl.kernel(
        _gather_body,
        out_type=(
            jax.ShapeDtypeStruct((_B * _F * _D,), jnp.float32),
            jax.ShapeDtypeStruct((_B * _F,), jnp.float32),
        ),
        mesh=mesh,
        scratch_types=[
            pltpu.VMEM((_LPW,), jnp.int32),
            pltpu.VMEM((_LPW * _D,), jnp.float32),
            pltpu.VMEM((_LPW * 8,), jnp.float32),
            pltpu.VMEM((_LPW,), jnp.float32),
            pltpu.SemaphoreType.DMA,
            pltpu.SemaphoreType.DMA,
        ],
        compiler_params=cp,
    )
    return k(emb2f, emb1f, idx)


def _bn(x, g, b):
    m = jnp.mean(x, axis=0, keepdims=True)
    xc = x - m
    v = jnp.mean(xc * xc, axis=0, keepdims=True)
    return g * xc / jnp.sqrt(v + _EPS) + b


def _dot(a, b):
    return jax.lax.dot(a, b, precision=_HI, preferred_element_type=jnp.float32)


def _tc_body(dnn0_ref, e1_ref, xi_ref, w1t_ref, b1_ref,
             wdt_ref, bd_ref, gd_ref, bed_ref,
             wat_ref, ba_ref, ga_ref, bea_ref,
             wbt_ref, bb_ref, gb_ref, beb_ref,
             wct_ref, bc_ref, out_ref):
    xi = xi_ref[...]
    dnn0 = dnn0_ref[...]

    fm1 = jnp.sum(e1_ref[...], axis=1, keepdims=True)
    fm1 = fm1 + _dot(xi, w1t_ref[...]) + b1_ref[...]

    rows = jax.lax.broadcasted_iota(jnp.int32, (_F * _D, _D), 0)
    cols = jax.lax.broadcasted_iota(jnp.int32, (_F * _D, _D), 1)
    sel = (rows % _D == cols).astype(jnp.float32)
    ssum = _dot(dnn0, sel)
    sqsum = _dot(dnn0 * dnn0, sel)
    fm2 = 0.5 * jnp.sum(ssum * ssum - sqsum, axis=1, keepdims=True)

    d = _dot(xi, wdt_ref[...]) + bd_ref[...]
    d = jax.nn.relu(_bn(d, gd_ref[...], bed_ref[...]))
    h = dnn0 + d
    h = _dot(h, wat_ref[...]) + ba_ref[...]
    h = jax.nn.relu(_bn(h, ga_ref[...], bea_ref[...]))
    h = _dot(h, wbt_ref[...]) + bb_ref[...]
    h = jax.nn.relu(_bn(h, gb_ref[...], beb_ref[...]))
    dnn_out = _dot(h, wct_ref[...]) + bc_ref[...]

    out_ref[...] = jax.nn.sigmoid(fm1 + fm2 + dnn_out)


def kernel(xi, xv, W1, b1, emb1, emb2, Wd, bd, gd, bed,
           Wa, ba, ga, bea, Wb, bb, gb, beb, Wc, bc):
    idx = (xv + (jnp.arange(_F, dtype=jnp.int32) * _V)[None, :])
    e2f, e1f = _sc_gather(emb2.reshape(_F * _V, _D),
                          emb1[..., 0].reshape(_F * _V),
                          idx.reshape(_B * _F))
    dnn0 = e2f.reshape(_B, _F * _D)
    e1 = e1f.reshape(_B, _F)

    out = pl.pallas_call(
        _tc_body,
        out_shape=jax.ShapeDtypeStruct((_B, 1), jnp.float32),
    )(
        dnn0, e1, xi,
        W1.T, b1.reshape(1, 1),
        Wd.T, bd.reshape(1, -1), gd.reshape(1, -1), bed.reshape(1, -1),
        Wa.T, ba.reshape(1, -1), ga.reshape(1, -1), bea.reshape(1, -1),
        Wb.T, bb.reshape(1, -1), gb.reshape(1, -1), beb.reshape(1, -1),
        Wc.T, bc.reshape(1, 1),
    )
    return out

# --- scband reference (transcript-rebuilt; emitter-appended) ---
"""Pipeline reference for scband-deep-fm-91302414778488 (READ-ONLY COPY).

The authoritative reference and input builder live on the scoring server;
editing this copy changes nothing except your own understanding.
"""

import jax, jax.numpy as jnp
import numpy as np

B = 4096
F = 26
V = 100000
D = 16
C = 13
H = 128
EPS = 1e-5


def _bn(x, g, b):
    m = jnp.mean(x, axis=0)
    v = jnp.var(x, axis=0)
    return g * (x - m) / jnp.sqrt(v + EPS) + b


def setup_inputs(seed: int = 0) -> dict:
    key = jax.random.key(seed)
    ks = jax.random.split(key, 24)
    xi = jax.random.normal(ks[0], (B, C), dtype=jnp.float32)
    xv = jax.random.randint(ks[1], (B, F), 0, V, dtype=jnp.int32)
    s = 0.02
    W1 = s * jax.random.normal(ks[2], (1, C), dtype=jnp.float32)
    b1 = jnp.zeros((1,), dtype=jnp.float32)
    emb1 = s * jax.random.normal(ks[3], (F, V, 1), dtype=jnp.float32)
    emb2 = s * jax.random.normal(ks[4], (F, V, D), dtype=jnp.float32)
    Wd = s * jax.random.normal(ks[5], (F * D, C), dtype=jnp.float32)
    bd = jnp.zeros((F * D,), dtype=jnp.float32)
    gd = jnp.ones((F * D,), dtype=jnp.float32)
    bed = jnp.zeros((F * D,), dtype=jnp.float32)
    Wa = s * jax.random.normal(ks[6], (H, F * D), dtype=jnp.float32)
    ba = jnp.zeros((H,), dtype=jnp.float32)
    ga = jnp.ones((H,), dtype=jnp.float32)
    bea = jnp.zeros((H,), dtype=jnp.float32)
    Wb = s * jax.random.normal(ks[7], (H, H), dtype=jnp.float32)
    bb = jnp.zeros((H,), dtype=jnp.float32)
    gb = jnp.ones((H,), dtype=jnp.float32)
    beb = jnp.zeros((H,), dtype=jnp.float32)
    Wc = s * jax.random.normal(ks[8], (1, H), dtype=jnp.float32)
    bc = jnp.zeros((1,), dtype=jnp.float32)
    return {"xi": xi, "xv": xv, "W1": W1, "b1": b1, "emb1": emb1, "emb2": emb2,
            "Wd": Wd, "bd": bd, "gd": gd, "bed": bed,
            "Wa": Wa, "ba": ba, "ga": ga, "bea": bea,
            "Wb": Wb, "bb": bb, "gb": gb, "beb": beb,
            "Wc": Wc, "bc": bc}


def reference(xi, xv, W1, b1, emb1, emb2, Wd, bd, gd, bed, Wa, ba, ga, bea, Wb, bb, gb, beb, Wc, bc):
    f = jnp.arange(emb1.shape[0])[None, :]
    # first-order sparse: per-field embedding lookup (dim 1), concat, sum
    e1 = emb1[f, xv][..., 0]                 # [B, F]
    fm_1st_sparse = jnp.sum(e1, axis=1, keepdims=True)   # [B, 1]
    fm_1st_dense = xi @ W1.T + b1            # [B, 1]
    fm_1st = fm_1st_dense + fm_1st_sparse
    # second-order sparse: per-field embedding lookup (dim D), stack
    e2 = emb2[f, xv]                          # [B, F, D]
    square_sum = jnp.sum(e2, axis=1) ** 2     # [B, D]
    sum_square = jnp.sum(e2 ** 2, axis=1)     # [B, D]
    sub = 0.5 * (square_sum - sum_square)
    fm_2nd = jnp.sum(sub, axis=1, keepdims=True)          # [B, 1]
    # DNN part
    dnn_in = e2.reshape(e2.shape[0], -1)      # [B, F*D]
    dense_out = jax.nn.relu(_bn(xi @ Wd.T + bd, gd, bed))
    dnn_in = dnn_in + dense_out
    h = jax.nn.relu(_bn(dnn_in @ Wa.T + ba, ga, bea))
    h = jax.nn.relu(_bn(h @ Wb.T + bb, gb, beb))
    dnn_out = h @ Wc.T + bc                   # [B, 1]
    return jax.nn.sigmoid(fm_1st + fm_2nd + dnn_out)

if __name__ == "__main__":
    import jax
    _d = setup_inputs()
    print(jax.jit(kernel)(*tuple(_d.values())))

</pallas_src>

<mosaic_0001>
#map = affine_map<(d0, d1) -> (0, 0)>
#map1 = affine_map<(d0, d1) -> (0)>
module attributes {stable_mosaic.version = 14 : i64} {
  func.func @_gather_body(%arg0: i32, %arg1: i32, %arg2: memref<2600000x16xf32, #tpu.memory_space<hbm>>, %arg3: memref<2600000xf32, #tpu.memory_space<hbm>>, %arg4: memref<106496xi32, #tpu.memory_space<hbm>>, %arg5: memref<1703936xf32, #tpu.memory_space<hbm>>, %arg6: memref<106496xf32, #tpu.memory_space<hbm>>, %arg7: memref<3328xi32, #tpu.memory_space<vmem>>, %arg8: memref<53248xf32, #tpu.memory_space<vmem>>, %arg9: memref<26624xf32, #tpu.memory_space<vmem>>, %arg10: memref<3328xf32, #tpu.memory_space<vmem>>, %arg11: memref<!tpu.dma_semaphore, #tpu.memory_space<semaphore_mem>>, %arg12: memref<!tpu.dma_semaphore, #tpu.memory_space<semaphore_mem>>) attributes {dimension_semantics = [#tpu.dimension_semantics<core_parallel>, #tpu.dimension_semantics<subcore_parallel>], iteration_bounds = array<i64: 2, 16>, scalar_prefetch = 0 : i64, scratch_operands = 6 : i64, tpu.core_type = #tpu.core_type<sc_vector_subcore>, window_params = [{transform_indices = #map}, {transform_indices = #map1}, {transform_indices = #map1}, {transform_indices = #map1}, {transform_indices = #map1}]} {
    %mul3A = arith.constant 2 : i32
    %mul3A_0 = arith.muli %arg1, %mul3A : i32
    %add3A = arith.addi %mul3A_0, %arg0 : i32
    %mul3A_1 = arith.constant 3328 : i32
    %mul3A_2 = arith.muli %add3A, %mul3A_1 : i32
    "tpu.region"() ({
      %run_scoped3A = tpu.sem_alloc : memref<!tpu.dma_semaphore, #tpu.memory_space<semaphore_mem>>
      %dma_start3A = tpu.memref_slice %arg4[%mul3A_2] : memref<106496xi32, #tpu.memory_space<hbm>> -> memref<3328xi32, #tpu.memory_space<hbm>>
      %dma_start3A_21 = tpu.memref_slice %arg4[%mul3A_2] : memref<106496xi32, #tpu.memory_space<hbm>> -> memref<3328xi32, #tpu.memory_space<hbm>>
      tpu.enqueue_dma source(%dma_start3A_21 : memref<3328xi32, #tpu.memory_space<hbm>>) target(%arg7 : memref<3328xi32, #tpu.memory_space<vmem>>) target_semaphore(%run_scoped3A : memref<!tpu.dma_semaphore, #tpu.memory_space<semaphore_mem>>)
      %dma_wait3A_22 = tpu.memref_slice %arg4[%mul3A_2] : memref<106496xi32, #tpu.memory_space<hbm>> -> memref<3328xi32, #tpu.memory_space<hbm>>
      %dma_wait3A_23 = tpu.memref_slice %arg4[%mul3A_2] : memref<106496xi32, #tpu.memory_space<hbm>> -> memref<3328xi32, #tpu.memory_space<hbm>>
      tpu.wait_dma2 semaphore(%run_scoped3A : memref<!tpu.dma_semaphore, #tpu.memory_space<semaphore_mem>>) src(%dma_wait3A_23 : memref<3328xi32, #tpu.memory_space<hbm>>) dst(%arg7 : memref<3328xi32, #tpu.memory_space<vmem>>)
      tpu.yield
    }) : () -> ()
    %scan3A = arith.constant 0 : i32
    %scan3A_3 = arith.constant 208 : i32
    %scan3A_4 = arith.addi %scan3A, %scan3A_3 : i32
    %scan3A_5 = arith.constant 1 : i32
    scf.for %scan3A_21 = %scan3A to %scan3A_4 step %scan3A_5  : i32 {
      %mul3A_22 = arith.constant 1 : i32
      %mul3A_23 = arith.muli %scan3A_21, %mul3A_22 : i32
      %add3A_24 = arith.constant 0 : i32
      %add3A_25 = arith.addi %add3A_24, %mul3A_23 : i32
      %mul3A_26 = arith.constant 16 : i32
      %mul3A_27 = arith.muli %add3A_25, %mul3A_26 : i32
      %get3A = arith.index_cast %mul3A_27 : i32 to index
      %get3A_28 = tpu.vector_load %arg7[%get3A] {strides = array<i32>} : memref<3328xi32, #tpu.memory_space<vmem>>, vector<16xi32>,
      %slice3A = vector.extract_strided_slice %get3A_28 {offsets = [0], sizes = [1], strides = [1]} : vector<16xi32> to vector<1xi32>
      %squeeze3A = vector.extract %slice3A[0] : i32 from vector<1xi32>
      %add3A_29 = arith.constant 0 : i32
      %add3A_30 = arith.addi %mul3A_27, %add3A_29 : i32
      %mul3A_31 = arith.constant 16 : i32
      %mul3A_32 = arith.muli %add3A_30, %mul3A_31 : i32
      %dma_start3A = tpu.memref_slice %arg8[%mul3A_32] : memref<53248xf32, #tpu.memory_space<vmem>> -> memref<16xf32, #tpu.memory_space<vmem>>
      %dma_start3A_33 = arith.constant 0 : i32
      %dma_start3A_34 = tpu.memref_slice %arg2[%squeeze3A, %dma_start3A_33] : memref<2600000x16xf32, #tpu.memory_space<hbm>> -> memref<1x16xf32, #tpu.memory_space<hbm>>
      %dma_start3A_35 = tpu.memref_squeeze %dma_start3A_34 : memref<1x16xf32, #tpu.memory_space<hbm>> -> memref<16xf32, #tpu.memory_space<hbm>>
      %dma_start3A_36 = tpu.memref_slice %arg8[%mul3A_32] : memref<53248xf32, #tpu.memory_space<vmem>> -> memref<16xf32, #tpu.memory_space<vmem>>
      %dma_start3A_37 = arith.constant 0 : i32
      %dma_start3A_38 = tpu.memref_slice %arg2[%squeeze3A, %dma_start3A_37] : memref<2600000x16xf32, #tpu.memory_space<hbm>> -> memref<1x16xf32, #tpu.memory_space<hbm>>
      %dma_start3A_39 = tpu.memref_squeeze %dma_start3A_38 : memref<1x16xf32, #tpu.memory_space<hbm>> -> memref<16xf32, #tpu.memory_space<hbm>>
      tpu.enqueue_dma source(%dma_start3A_39 : memref<16xf32, #tpu.memory_space<hbm>>) target(%dma_start3A_36 : memref<16xf32, #tpu.memory_space<vmem>>) target_semaphore(%arg11 : memref<!tpu.dma_semaphore, #tpu.memory_space<semaphore_mem>>)
      %shift_right_arithmetic3A = arith.constant 3 : i32
      %shift_right_arithmetic3A_40 = arith.shrsi %squeeze3A, %shift_right_arithmetic3A : i32
      %mul3A_41 = arith.constant 8 : i32
      %mul3A_42 = arith.muli %shift_right_arithmetic3A_40, %mul3A_41 : i32
      %add3A_43 = arith.constant 0 : i32
      %add3A_44 = arith.addi %mul3A_27, %add3A_43 : i32
      %mul3A_45 = arith.constant 8 : i32
      %mul3A_46 = arith.muli %add3A_44, %mul3A_45 : i32
      %dma_start3A_47 = tpu.memref_slice %arg9[%mul3A_46] : memref<26624xf32, #tpu.memory_space<vmem>> -> memref<8xf32, #tpu.memory_space<vmem>>
      %dma_start3A_48 = tpu.memref_slice %arg3[%mul3A_42] : memref<2600000xf32, #tpu.memory_space<hbm>> -> memref<8xf32, #tpu.memory_space<hbm>>
      %dma_start3A_49 = tpu.memref_slice %arg9[%mul3A_46] : memref<26624xf32, #tpu.memory_space<vmem>> -> memref<8xf32, #tpu.memory_space<vmem>>
      %dma_start3A_50 = tpu.memref_slice %arg3[%mul3A_42] : memref<2600000xf32, #tpu.memory_space<hbm>> -> memref<8xf32, #tpu.memory_space<hbm>>
      tpu.enqueue_dma source(%dma_start3A_50 : memref<8xf32, #tpu.memory_space<hbm>>) target(%dma_start3A_49 : memref<8xf32, #tpu.memory_space<vmem>>) target_semaphore(%arg12 : memref<!tpu.dma_semaphore, #tpu.memory_space<semaphore_mem>>)
      %slice3A_51 = vector.extract_strided_slice %get3A_28 {offsets = [1], sizes = [1], strides = [1]} : vector<16xi32> to vector<1xi32>
      %squeeze3A_52 = vector.extract %slice3A_51[0] : i32 from vector<1xi32>
      %add3A_53 = arith.constant 1 : i32
      %add3A_54 = arith.addi %mul3A_27, %add3A_53 : i32
      %mul3A_55 = arith.constant 16 : i32
      %mul3A_56 = arith.muli %add3A_54, %mul3A_55 : i32
      %dma_start3A_57 = tpu.memref_slice %arg8[%mul3A_56] : memref<53248xf32, #tpu.memory_space<vmem>> -> memref<16xf32, #tpu.memory_space<vmem>>
      %dma_start3A_58 = arith.constant 0 : i32
      %dma_start3A_59 = tpu.memref_slice %arg2[%squeeze3A_52, %dma_start3A_58] : memref<2600000x16xf32, #tpu.memory_space<hbm>> -> memref<1x16xf32, #tpu.memory_space<hbm>>
      %dma_start3A_60 = tpu.memref_squeeze %dma_start3A_59 : memref<1x16xf32, #tpu.memory_space<hbm>> -> memref<16xf32, #tpu.memory_space<hbm>>
      %dma_start3A_61 = tpu.memref_slice %arg8[%mul3A_56] : memref<53248xf32, #tpu.memory_space<vmem>> -> memref<16xf32, #tpu.memory_space<vmem>>
      %dma_start3A_62 = arith.constant 0 : i32
      %dma_start3A_63 = tpu.memref_slice %arg2[%squeeze3A_52, %dma_start3A_62] : memref<2600000x16xf32, #tpu.memory_space<hbm>> -> memref<1x16xf32, #tpu.memory_space<hbm>>
      %dma_start3A_64 = tpu.memref_squeeze %dma_start3A_63 : memref<1x16xf32, #tpu.memory_space<hbm>> -> memref<16xf32, #tpu.memory_space<hbm>>
      tpu.enqueue_dma source(%dma_start3A_64 : memref<16xf32, #tpu.memory_space<hbm>>) target(%dma_start3A_61 : memref<16xf32, #tpu.memory_space<vmem>>) target_semaphore(%arg11 : memref<!tpu.dma_semaphore, #tpu.memory_space<semaphore_mem>>)
      %shift_right_arithmetic3A_65 = arith.constant 3 : i32
      %shift_right_arithmetic3A_66 = arith.shrsi %squeeze3A_52, %shift_right_arithmetic3A_65 : i32
      %mul3A_67 = arith.constant 8 : i32
      %mul3A_68 = arith.muli %shift_right_arithmetic3A_66, %mul3A_67 : i32
      %add3A_69 = arith.constant 1 : i32
      %add3A_70 = arith.addi %mul3A_27, %add3A_69 : i32
      %mul3A_71 = arith.constant 8 : i32
      %mul3A_72 = arith.muli %add3A_70, %mul3A_71 : i32
      %dma_start3A_73 = tpu.memref_slice %arg9[%mul3A_72] : memref<26624xf32, #tpu.memory_space<vmem>> -> memref<8xf32, #tpu.memory_space<vmem>>
      %dma_start3A_74 = tpu.memref_slice %arg3[%mul3A_68] : memref<2600000xf32, #tpu.memory_space<hbm>> -> memref<8xf32, #tpu.memory_space<hbm>>
      %dma_start3A_75 = tpu.memref_slice %arg9[%mul3A_72] : memref<26624xf32, #tpu.memory_space<vmem>> -> memref<8xf32, #tpu.memory_space<vmem>>
      %dma_start3A_76 = tpu.memref_slice %arg3[%mul3A_68] : memref<2600000xf32, #tpu.memory_space<hbm>> -> memref<8xf32, #tpu.memory_space<hbm>>
      tpu.enqueue_dma source(%dma_start3A_76 : memref<8xf32, #tpu.memory_space<hbm>>) target(%dma_start3A_75 : memref<8xf32, #tpu.memory_space<vmem>>) target_semaphore(%arg12 : memref<!tpu.dma_semaphore, #tpu.memory_space<semaphore_mem>>)
      %slice3A_77 = vector.extract_strided_slice %get3A_28 {offsets = [2], sizes = [1], strides = [1]} : vector<16xi32> to vector<1xi32>
      %squeeze3A_78 = vector.extract %slice3A_77[0] : i32 from vector<1xi32>
      %add3A_79 = arith.constant 2 : i32
      %add3A_80 = arith.addi %mul3A_27, %add3A_79 : i32
      %mul3A_81 = arith.constant 16 : i32
      %mul3A_82 = arith.muli %add3A_80, %mul3A_81 : i32
      %dma_start3A_83 = tpu.memref_slice %arg8[%mul3A_82] : memref<53248xf32, #tpu.memory_space<vmem>> -> memref<16xf32, #tpu.memory_space<vmem>>
      %dma_start3A_84 = arith.constant 0 : i32
      %dma_start3A_85 = tpu.memref_slice %arg2[%squeeze3A_78, %dma_start3A_84] : memref<2600000x16xf32, #tpu.memory_space<hbm>> -> memref<1x16xf32, #tpu.memory_space<hbm>>
      %dma_start3A_86 = tpu.memref_squeeze %dma_start3A_85 : memref<1x16xf32, #tpu.memory_space<hbm>> -> memref<16xf32, #tpu.memory_space<hbm>>
      %dma_start3A_87 = tpu.memref_slice %arg8[%mul3A_82] : memref<53248xf32, #tpu.memory_space<vmem>> -> memref<16xf32, #tpu.memory_space<vmem>>
      %dma_start3A_88 = arith.constant 0 : i32
      %dma_start3A_89 = tpu.memref_slice %arg2[%squeeze3A_78, %dma_start3A_88] : memref<2600000x16xf32, #tpu.memory_space<hbm>> -> memref<1x16xf32, #tpu.memory_space<hbm>>
      %dma_start3A_90 = tpu.memref_squeeze %dma_start3A_89 : memref<1x16xf32, #tpu.memory_space<hbm>> -> memref<16xf32, #tpu.memory_space<hbm>>
      tpu.enqueue_dma source(%dma_start3A_90 : memref<16xf32, #tpu.memory_space<hbm>>) target(%dma_start3A_87 : memref<16xf32, #tpu.memory_space<vmem>>) target_semaphore(%arg11 : memref<!tpu.dma_semaphore, #tpu.memory_space<semaphore_mem>>)
      %shift_right_arithmetic3A_91 = arith.constant 3 : i32
      %shift_right_arithmetic3A_92 = arith.shrsi %squeeze3A_78, %shift_right_arithmetic3A_91 : i32
      %mul3A_93 = arith.constant 8 : i32
      %mul3A_94 = arith.muli %shift_right_arithmetic3A_92, %mul3A_93 : i32
      %add3A_95 = arith.constant 2 : i32
      %add3A_96 = arith.addi %mul3A_27, %add3A_95 : i32
      %mul3A_97 = arith.constant 8 : i32
      %mul3A_98 = arith.muli %add3A_96, %mul3A_97 : i32
      %dma_start3A_99 = tpu.memref_slice %arg9[%mul3A_98] : memref<26624xf32, #tpu.memory_space<vmem>> -> memref<8xf32, #tpu.memory_space<vmem>>
      %dma_start3A_100 = tpu.memref_slice %arg3[%mul3A_94] : memref<2600000xf32, #tpu.memory_space<hbm>> -> memref<8xf32, #tpu.memory_space<hbm>>
      %dma_start3A_101 = tpu.memref_slice %arg9[%mul3A_98] : memref<26624xf32, #tpu.memory_space<vmem>> -> memref<8xf32, #tpu.memory_space<vmem>>
      %dma_start3A_102 = tpu.memref_slice %arg3[%mul3A_94] : memref<2600000xf32, #tpu.memory_space<hbm>> -> memref<8xf32, #tpu.memory_space<hbm>>
      tpu.enqueue_dma source(%dma_start3A_102 : memref<8xf32, #tpu.memory_space<hbm>>) target(%dma_start3A_101 : memref<8xf32, #tpu.memory_space<vmem>>) target_semaphore(%arg12 : memref<!tpu.dma_semaphore, #tpu.memory_space<semaphore_mem>>)
      %slice3A_103 = vector.extract_strided_slice %get3A_28 {offsets = [3], sizes = [1], strides = [1]} : vector<16xi32> to vector<1xi32>
      %squeeze3A_104 = vector.extract %slice3A_103[0] : i32 from vector<1xi32>
      %add3A_105 = arith.constant 3 : i32
      %add3A_106 = arith.addi %mul3A_27, %add3A_105 : i32
      %mul3A_107 = arith.constant 16 : i32
      %mul3A_108 = arith.muli %add3A_106, %mul3A_107 : i32
      %dma_start3A_109 = tpu.memref_slice %arg8[%mul3A_108] : memref<53248xf32, #tpu.memory_space<vmem>> -> memref<16xf32, #tpu.memory_space<vmem>>
      %dma_start3A_110 = arith.constant 0 : i32
      %dma_start3A_111 = tpu.memref_slice %arg2[%squeeze3A_104, %dma_start3A_110] : memref<2600000x16xf32, #tpu.memory_space<hbm>> -> memref<1x16xf32, #tpu.memory_space<hbm>>
      %dma_start3A_112 = tpu.memref_squeeze %dma_start3A_111 : memref<1x16xf32, #tpu.memory_space<hbm>> -> memref<16xf32, #tpu.memory_space<hbm>>
      %dma_start3A_113 = tpu.memref_slice %arg8[%mul3A_108] : memref<53248xf32, #tpu.memory_space<vmem>> -> memref<16xf32, #tpu.memory_space<vmem>>
      %dma_start3A_114 = arith.constant 0 : i32
      %dma_start3A_115 = tpu.memref_slice %arg2[%squeeze3A_104, %dma_start3A_114] : memref<2600000x16xf32, #tpu.memory_space<hbm>> -> memref<1x16xf32, #tpu.memory_space<hbm>>
      %dma_start3A_116 = tpu.memref_squeeze %dma_start3A_115 : memref<1x16xf32, #tpu.memory_space<hbm>> -> memref<16xf32, #tpu.memory_space<hbm>>
      tpu.enqueue_dma source(%dma_start3A_116 : memref<16xf32, #tpu.memory_space<hbm>>) target(%dma_start3A_113 : memref<16xf32, #tpu.memory_space<vmem>>) target_semaphore(%arg11 : memref<!tpu.dma_semaphore, #tpu.memory_space<semaphore_mem>>)
      %shift_right_arithmetic3A_117 = arith.constant 3 : i32
      %shift_right_arithmetic3A_118 = arith.shrsi %squeeze3A_104, %shift_right_arithmetic3A_117 : i32
      %mul3A_119 = arith.constant 8 : i32
      %mul3A_120 = arith.muli %shift_right_arithmetic3A_118, %mul3A_119 : i32
      %add3A_121 = arith.constant 3 : i32
      %add3A_122 = arith.addi %mul3A_27, %add3A_121 : i32
      %mul3A_123 = arith.constant 8 : i32
      %mul3A_124 = arith.muli %add3A_122, %mul3A_123 : i32
      %dma_start3A_125 = tpu.memref_slice %arg9[%mul3A_124] : memref<26624xf32, #tpu.memory_space<vmem>> -> memref<8xf32, #tpu.memory_space<vmem>>
      %dma_start3A_126 = tpu.memref_slice %arg3[%mul3A_120] : memref<2600000xf32, #tpu.memory_space<hbm>> -> memref<8xf32, #tpu.memory_space<hbm>>
      %dma_start3A_127 = tpu.memref_slice %arg9[%mul3A_124] : memref<26624xf32, #tpu.memory_space<vmem>> -> memref<8xf32, #tpu.memory_space<vmem>>
      %dma_start3A_128 = tpu.memref_slice %arg3[%mul3A_120] : memref<2600000xf32, #tpu.memory_space<hbm>> -> memref<8xf32, #tpu.memory_space<hbm>>
      tpu.enqueue_dma source(%dma_start3A_128 : memref<8xf32, #tpu.memory_space<hbm>>) target(%dma_start3A_127 : memref<8xf32, #tpu.memory_space<vmem>>) target_semaphore(%arg12 : memref<!tpu.dma_semaphore, #tpu.memory_space<semaphore_mem>>)
      %slice3A_129 = vector.extract_strided_slice %get3A_28 {offsets = [4], sizes = [1], strides = [1]} : vector<16xi32> to vector<1xi32>
      %squeeze3A_130 = vector.extract %slice3A_129[0] : i32 from vector<1xi32>
      %add3A_131 = arith.constant 4 : i32
      %add3A_132 = arith.addi %mul3A_27, %add3A_131 : i32
      %mul3A_133 = arith.constant 16 : i32
      %mul3A_134 = arith.muli %add3A_132, %mul3A_133 : i32
      %dma_start3A_135 = tpu.memref_slice %arg8[%mul3A_134] : memref<53248xf32, #tpu.memory_space<vmem>> -> memref<16xf32, #tpu.memory_space<vmem>>
      %dma_start3A_136 = arith.constant 0 : i32
      %dma_start3A_137 = tpu.memref_slice %arg2[%squeeze3A_130, %dma_start3A_136] : memref<2600000x16xf32, #tpu.memory_space<hbm>> -> memref<1x16xf32, #tpu.memory_space<hbm>>
      %dma_start3A_138 = tpu.memref_squeeze %dma_start3A_137 : memref<1x16xf32, #tpu.memory_space<hbm>> -> memref<16xf32, #tpu.memory_space<hbm>>
      %dma_start3A_139 = tpu.memref_slice %arg8[%mul3A_134] : memref<53248xf32, #tpu.memory_space<vmem>> -> memref<16xf32, #tpu.memory_space<vmem>>
      %dma_start3A_140 = arith.constant 0 : i32
      %dma_start3A_141 = tpu.memref_slice %arg2[%squeeze3A_130, %dma_start3A_140] : memref<2600000x16xf32, #tpu.memory_space<hbm>> -> memref<1x16xf32, #tpu.memory_space<hbm>>
      %dma_start3A_142 = tpu.memref_squeeze %dma_start3A_141 : memref<1x16xf32, #tpu.memory_space<hbm>> -> memref<16xf32, #tpu.memory_space<hbm>>
      tpu.enqueue_dma source(%dma_start3A_142 : memref<16xf32, #tpu.memory_space<hbm>>) target(%dma_start3A_139 : memref<16xf32, #tpu.memory_space<vmem>>) target_semaphore(%arg11 : memref<!tpu.dma_semaphore, #tpu.memory_space<semaphore_mem>>)
      %shift_right_arithmetic3A_143 = arith.constant 3 : i32
      %shift_right_arithmetic3A_144 = arith.shrsi %squeeze3A_130, %shift_right_arithmetic3A_143 : i32
      %mul3A_145 = arith.constant 8 : i32
      %mul3A_146 = arith.muli %shift_right_arithmetic3A_144, %mul3A_145 : i32
      %add3A_147 = arith.constant 4 : i32
      %add3A_148 = arith.addi %mul3A_27, %add3A_147 : i32
      %mul3A_149 = arith.constant 8 : i32
      %mul3A_150 = arith.muli %add3A_148, %mul3A_149 : i32
      %dma_start3A_151 = tpu.memref_slice %arg9[%mul3A_150] : memref<26624xf32, #tpu.memory_space<vmem>> -> memref<8xf32, #tpu.memory_space<vmem>>
      %dma_start3A_152 = tpu.memref_slice %arg3[%mul3A_146] : memref<2600000xf32, #tpu.memory_space<hbm>> -> memref<8xf32, #tpu.memory_space<hbm>>
      %dma_start3A_153 = tpu.memref_slice %arg9[%mul3A_150] : memref<26624xf32, #tpu.memory_space<vmem>> -> memref<8xf32, #tpu.memory_space<vmem>>
      %dma_start3A_154 = tpu.memref_slice %arg3[%mul3A_146] : memref<2600000xf32, #tpu.memory_space<hbm>> -> memref<8xf32, #tpu.memory_space<hbm>>
      tpu.enqueue_dma source(%dma_start3A_154 : memref<8xf32, #tpu.memory_space<hbm>>) target(%dma_start3A_153 : memref<8xf32, #tpu.memory_space<vmem>>) target_semaphore(%arg12 : memref<!tpu.dma_semaphore, #tpu.memory_space<semaphore_mem>>)
      %slice3A_155 = vector.extract_strided_slice %get3A_28 {offsets = [5], sizes = [1], strides = [1]} : vector<16xi32> to vector<1xi32>
      %squeeze3A_156 = vector.extract %slice3A_155[0] : i32 from vector<1xi32>
      %add3A_157 = arith.constant 5 : i32
      %add3A_158 = arith.addi %mul3A_27, %add3A_157 : i32
      %mul3A_159 = arith.constant 16 : i32
      %mul3A_160 = arith.muli %add3A_158, %mul3A_159 : i32
      %dma_start3A_161 = tpu.memref_slice %arg8[%mul3A_160] : memref<53248xf32, #tpu.memory_space<vmem>> -> memref<16xf32, #tpu.memory_space<vmem>>
      %dma_start3A_162 = arith.constant 0 : i32
      %dma_start3A_163 = tpu.memref_slice %arg2[%squeeze3A_156, %dma_start3A_162] : memref<2600000x16xf32, #tpu.memory_space<hbm>> -> memref<1x16xf32, #tpu.memory_space<hbm>>
      %dma_start3A_164 = tpu.memref_squeeze %dma_start3A_163 : memref<1x16xf32, #tpu.memory_space<hbm>> -> memref<16xf32, #tpu.memory_space<hbm>>
      %dma_start3A_165 = tpu.memref_slice %arg8[%mul3A_160] : memref<53248xf32, #tpu.memory_space<vmem>> -> memref<16xf32, #tpu.memory_space<vmem>>
      %dma_start3A_166 = arith.constant 0 : i32
      %dma_start3A_167 = tpu.memref_slice %arg2[%squeeze3A_156, %dma_start3A_166] : memref<2600000x16xf32, #tpu.memory_space<hbm>> -> memref<1x16xf32, #tpu.memory_space<hbm>>
      %dma_start3A_168 = tpu.memref_squeeze %dma_start3A_167 : memref<1x16xf32, #tpu.memory_space<hbm>> -> memref<16xf32, #tpu.memory_space<hbm>>
      tpu.enqueue_dma source(%dma_start3A_168 : memref<16xf32, #tpu.memory_space<hbm>>) target(%dma_start3A_165 : memref<16xf32, #tpu.memory_space<vmem>>) target_semaphore(%arg11 : memref<!tpu.dma_semaphore, #tpu.memory_space<semaphore_mem>>)
      %shift_right_arithmetic3A_169 = arith.constant 3 : i32
      %shift_right_arithmetic3A_170 = arith.shrsi %squeeze3A_156, %shift_right_arithmetic3A_169 : i32
      %mul3A_171 = arith.constant 8 : i32
      %mul3A_172 = arith.muli %shift_right_arithmetic3A_170, %mul3A_171 : i32
      %add3A_173 = arith.constant 5 : i32
      %add3A_174 = arith.addi %mul3A_27, %add3A_173 : i32
      %mul3A_175 = arith.constant 8 : i32
      %mul3A_176 = arith.muli %add3A_174, %mul3A_175 : i32
      %dma_start3A_177 = tpu.memref_slice %arg9[%mul3A_176] : memref<26624xf32, #tpu.memory_space<vmem>> -> memref<8xf32, #tpu.memory_space<vmem>>
      %dma_start3A_178 = tpu.memref_slice %arg3[%mul3A_172] : memref<2600000xf32, #tpu.memory_space<hbm>> -> memref<8xf32, #tpu.memory_space<hbm>>
      %dma_start3A_179 = tpu.memref_slice %arg9[%mul3A_176] : memref<26624xf32, #tpu.memory_space<vmem>> -> memref<8xf32, #tpu.memory_space<vmem>>
      %dma_start3A_180 = tpu.memref_slice %arg3[%mul3A_172] : memref<2600000xf32, #tpu.memory_space<hbm>> -> memref<8xf32, #tpu.memory_space<hbm>>
      tpu.enqueue_dma source(%dma_start3A_180 : memref<8xf32, #tpu.memory_space<hbm>>) target(%dma_start3A_179 : memref<8xf32, #tpu.memory_space<vmem>>) target_semaphore(%arg12 : memref<!tpu.dma_semaphore, #tpu.memory_space<semaphore_mem>>)
      %slice3A_181 = vector.extract_strided_slice %get3A_28 {offsets = [6], sizes = [1], strides = [1]} : vector<16xi32> to vector<1xi32>
      %squeeze3A_182 = vector.extract %slice3A_181[0] : i32 from vector<1xi32>
      %add3A_183 = arith.constant 6 : i32
      %add3A_184 = arith.addi %mul3A_27, %add3A_183 : i32
      %mul3A_185 = arith.constant 16 : i32
      %mul3A_186 = arith.muli %add3A_184, %mul3A_185 : i32
      %dma_start3A_187 = tpu.memref_slice %arg8[%mul3A_186] : memref<53248xf32, #tpu.memory_space<vmem>> -> memref<16xf32, #tpu.memory_space<vmem>>
      %dma_start3A_188 = arith.constant 0 : i32
      %dma_start3A_189 = tpu.memref_slice %arg2[%squeeze3A_182, %dma_start3A_188] : memref<2600000x16xf32, #tpu.memory_space<hbm>> -> memref<1x16xf32, #tpu.memory_space<hbm>>
      %dma_start3A_190 = tpu.memref_squeeze %dma_start3A_189 : memref<1x16xf32, #tpu.memory_space<hbm>> -> memref<16xf32, #tpu.memory_space<hbm>>
      %dma_start3A_191 = tpu.memref_slice %arg8[%mul3A_186] : memref<53248xf32, #tpu.memory_space<vmem>> -> memref<16xf32, #tpu.memory_space<vmem>>
      %dma_start3A_192 = arith.constant 0 : i32
      %dma_start3A_193 = tpu.memref_slice %arg2[%squeeze3A_182, %dma_start3A_192] : memref<2600000x16xf32, #tpu.memory_space<hbm>> -> memref<1x16xf32, #tpu.memory_space<hbm>>
      %dma_start3A_194 = tpu.memref_squeeze %dma_start3A_193 : memref<1x16xf32, #tpu.memory_space<hbm>> -> memref<16xf32, #tpu.memory_space<hbm>>
      tpu.enqueue_dma source(%dma_start3A_194 : memref<16xf32, #tpu.memory_space<hbm>>) target(%dma_start3A_191 : memref<16xf32, #tpu.memory_space<vmem>>) target_semaphore(%arg11 : memref<!tpu.dma_semaphore, #tpu.memory_space<semaphore_mem>>)
      %shift_right_arithmetic3A_195 = arith.constant 3 : i32
      %shift_right_arithmetic3A_196 = arith.shrsi %squeeze3A_182, %shift_right_arithmetic3A_195 : i32
      %mul3A_197 = arith.constant 8 : i32
      %mul3A_198 = arith.muli %shift_right_arithmetic3A_196, %mul3A_197 : i32
      %add3A_199 = arith.constant 6 : i32
      %add3A_200 = arith.addi %mul3A_27, %add3A_199 : i32
      %mul3A_201 = arith.constant 8 : i32
      %mul3A_202 = arith.muli %add3A_200, %mul3A_201 : i32
      %dma_start3A_203 = tpu.memref_slice %arg9[%mul3A_202] : memref<26624xf32, #tpu.memory_space<vmem>> -> memref<8xf32, #tpu.memory_space<vmem>>
      %dma_start3A_204 = tpu.memref_slice %arg3[%mul3A_198] : memref<2600000xf32, #tpu.memory_space<hbm>> -> memref<8xf32, #tpu.memory_space<hbm>>
      %dma_start3A_205 = tpu.memref_slice %arg9[%mul3A_202] : memref<26624xf32, #tpu.memory_space<vmem>> -> memref<8xf32, #tpu.memory_space<vmem>>
      %dma_start3A_206 = tpu.memref_slice %arg3[%mul3A_198] : memref<2600000xf32, #tpu.memory_space<hbm>> -> memref<8xf32, #tpu.memory_space<hbm>>
      tpu.enqueue_dma source(%dma_start3A_206 : memref<8xf32, #tpu.memory_space<hbm>>) target(%dma_start3A_205 : memref<8xf32, #tpu.memory_space<vmem>>) target_semaphore(%arg12 : memref<!tpu.dma_semaphore, #tpu.memory_space<semaphore_mem>>)
      %slice3A_207 = vector.extract_strided_slice %get3A_28 {offsets = [7], sizes = [1], strides = [1]} : vector<16xi32> to vector<1xi32>
      %squeeze3A_208 = vector.extract %slice3A_207[0] : i32 from vector<1xi32>
      %add3A_209 = arith.constant 7 : i32
      %add3A_210 = arith.addi %mul3A_27, %add3A_209 : i32
      %mul3A_211 = arith.constant 16 : i32
      %mul3A_212 = arith.muli %add3A_210, %mul3A_211 : i32
      %dma_start3A_213 = tpu.memref_slice %arg8[%mul3A_212] : memref<53248xf32, #tpu.memory_space<vmem>> -> memref<16xf32, #tpu.memory_space<vmem>>
      %dma_start3A_214 = arith.constant 0 : i32
      %dma_start3A_215 = tpu.memref_slice %arg2[%squeeze3A_208, %dma_start3A_214] : memref<2600000x16xf32, #tpu.memory_space<hbm>> -> memref<1x16xf32, #tpu.memory_space<hbm>>
      %dma_start3A_216 = tpu.memref_squeeze %dma_start3A_215 : memref<1x16xf32, #tpu.memory_space<hbm>> -> memref<16xf32, #tpu.memory_space<hbm>>
      %dma_start3A_217 = tpu.memref_slice %arg8[%mul3A_212] : memref<53248xf32, #tpu.memory_space<vmem>> -> memref<16xf32, #tpu.memory_space<vmem>>
      %dma_start3A_218 = arith.constant 0 : i32
      %dma_start3A_219 = tpu.memref_slice %arg2[%squeeze3A_208, %dma_start3A_218] : memref<2600000x16xf32, #tpu.memory_space<hbm>> -> memref<1x16xf32, #tpu.memory_space<hbm>>
      %dma_start3A_220 = tpu.memref_squeeze %dma_start3A_219 : memref<1x16xf32, #tpu.memory_space<hbm>> -> memref<16xf32, #tpu.memory_space<hbm>>
      tpu.enqueue_dma source(%dma_start3A_220 : memref<16xf32, #tpu.memory_space<hbm>>) target(%dma_start3A_217 : memref<16xf32, #tpu.memory_space<vmem>>) target_semaphore(%arg11 : memref<!tpu.dma_semaphore, #tpu.memory_space<semaphore_mem>>)
      %shift_right_arithmetic3A_221 = arith.constant 3 : i32
      %shift_right_arithmetic3A_222 = arith.shrsi %squeeze3A_208, %shift_right_arithmetic3A_221 : i32
      %mul3A_223 = arith.constant 8 : i32
      %mul3A_224 = arith.muli %shift_right_arithmetic3A_222, %mul3A_223 : i32
      %add3A_225 = arith.constant 7 : i32
      %add3A_226 = arith.addi %mul3A_27, %add3A_225 : i32
      %mul3A_227 = arith.constant 8 : i32
      %mul3A_228 = arith.muli %add3A_226, %mul3A_227 : i32
      %dma_start3A_229 = tpu.memref_slice %arg9[%mul3A_228] : memref<26624xf32, #tpu.memory_space<vmem>> -> memref<8xf32, #tpu.memory_space<vmem>>
      %dma_start3A_230 = tpu.memref_slice %arg3[%mul3A_224] : memref<2600000xf32, #tpu.memory_space<hbm>> -> memref<8xf32, #tpu.memory_space<hbm>>
      %dma_start3A_231 = tpu.memref_slice %arg9[%mul3A_228] : memref<26624xf32, #tpu.memory_space<vmem>> -> memref<8xf32, #tpu.memory_space<vmem>>
      %dma_start3A_232 = tpu.memref_slice %arg3[%mul3A_224] : memref<2600000xf32, #tpu.memory_space<hbm>> -> memref<8xf32, #tpu.memory_space<hbm>>
      tpu.enqueue_dma source(%dma_start3A_232 : memref<8xf32, #tpu.memory_space<hbm>>) target(%dma_start3A_231 : memref<8xf32, #tpu.memory_space<vmem>>) target_semaphore(%arg12 : memref<!tpu.dma_semaphore, #tpu.memory_space<semaphore_mem>>)
      %slice3A_233 = vector.extract_strided_slice %get3A_28 {offsets = [8], sizes = [1], strides = [1]} : vector<16xi32> to vector<1xi32>
      %squeeze3A_234 = vector.extract %slice3A_233[0] : i32 from vector<1xi32>
      %add3A_235 = arith.constant 8 : i32
      %add3A_236 = arith.addi %mul3A_27, %add3A_235 : i32
      %mul3A_237 = arith.constant 16 : i32
      %mul3A_238 = arith.muli %add3A_236, %mul3A_237 : i32
      %dma_start3A_239 = tpu.memref_slice %arg8[%mul3A_238] : memref<53248xf32, #tpu.memory_space<vmem>> -> memref<16xf32, #tpu.memory_space<vmem>>
      %dma_start3A_240 = arith.constant 0 : i32
      %dma_start3A_241 = tpu.memref_slice %arg2[%squeeze3A_234, %dma_start3A_240] : memref<2600000x16xf32, #tpu.memory_space<hbm>> -> memref<1x16xf32, #tpu.memory_space<hbm>>
      %dma_start3A_242 = tpu.memref_squeeze %dma_start3A_241 : memref<1x16xf32, #tpu.memory_space<hbm>> -> memref<16xf32, #tpu.memory_space<hbm>>
      %dma_start3A_243 = tpu.memref_slice %arg8[%mul3A_238] : memref<53248xf32, #tpu.memory_space<vmem>> -> memref<16xf32, #tpu.memory_space<vmem>>
      %dma_start3A_244 = arith.constant 0 : i32
      %dma_start3A_245 = tpu.memref_slice %arg2[%squeeze3A_234, %dma_start3A_244] : memref<2600000x16xf32, #tpu.memory_space<hbm>> -> memref<1x16xf32, #tpu.memory_space<hbm>>
      %dma_start3A_246 = tpu.memref_squeeze %dma_start3A_245 : memref<1x16xf32, #tpu.memory_space<hbm>> -> memref<16xf32, #tpu.memory_space<hbm>>
      tpu.enqueue_dma source(%dma_start3A_246 : memref<16xf32, #tpu.memory_space<hbm>>) target(%dma_start3A_243 : memref<16xf32, #tpu.memory_space<vmem>>) target_semaphore(%arg11 : memref<!tpu.dma_semaphore, #tpu.memory_space<semaphore_mem>>)
      %shift_right_arithmetic3A_247 = arith.constant 3 : i32
      %shift_right_arithmetic3A_248 = arith.shrsi %squeeze3A_234, %shift_right_arithmetic3A_247 : i32
      %mul3A_249 = arith.constant 8 : i32
      %mul3A_250 = arith.muli %shift_right_arithmetic3A_248, %mul3A_249 : i32
      %add3A_251 = arith.constant 8 : i32
      %add3A_252 = arith.addi %mul3A_27, %add3A_251 : i32
      %mul3A_253 = arith.constant 8 : i32
      %mul3A_254 = arith.muli %add3A_252, %mul3A_253 : i32
      %dma_start3A_255 = tpu.memref_slice %arg9[%mul3A_254] : memref<26624xf32, #tpu.memory_space<vmem>> -> memref<8xf32, #tpu.memory_space<vmem>>
      %dma_start3A_256 = tpu.memref_slice %arg3[%mul3A_250] : memref<2600000xf32, #tpu.memory_space<hbm>> -> memref<8xf32, #tpu.memory_space<hbm>>
      %dma_start3A_257 = tpu.memref_slice %arg9[%mul3A_254] : memref<26624xf32, #tpu.memory_space<vmem>> -> memref<8xf32, #tpu.memory_space<vmem>>
      %dma_start3A_258 = tpu.memref_slice %arg3[%mul3A_250] : memref<2600000xf32, #tpu.memory_space<hbm>> -> memref<8xf32, #tpu.memory_space<hbm>>
      tpu.enqueue_dma source(%dma_start3A_258 : memref<8xf32, #tpu.memory_space<hbm>>) target(%dma_start3A_257 : memref<8xf32, #tpu.memory_space<vmem>>) target_semaphore(%arg12 : memref<!tpu.dma_semaphore, #tpu.memory_space<semaphore_mem>>)
      %slice3A_259 = vector.extract_strided_slice %get3A_28 {offsets = [9], sizes = [1], strides = [1]} : vector<16xi32> to vector<1xi32>
      %squeeze3A_260 = vector.extract %slice3A_259[0] : i32 from vector<1xi32>
      %add3A_261 = arith.constant 9 : i32
      %add3A_262 = arith.addi %mul3A_27, %add3A_261 : i32
      %mul3A_263 = arith.constant 16 : i32
      %mul3A_264 = arith.muli %add3A_262, %mul3A_263 : i32
      %dma_start3A_265 = tpu.memref_slice %arg8[%mul3A_264] : memref<53248xf32, #tpu.memory_space<vmem>> -> memref<16xf32, #tpu.memory_space<vmem>>
      %dma_start3A_266 = arith.constant 0 : i32
      %dma_start3A_267 = tpu.memref_slice %arg2[%squeeze3A_260, %dma_start3A_266] : memref<2600000x16xf32, #tpu.memory_space<hbm>> -> memref<1x16xf32, #tpu.memory_space<hbm>>
      %dma_start3A_268 = tpu.memref_squeeze %dma_start3A_267 : memref<1x16xf32, #tpu.memory_space<hbm>> -> memref<16xf32, #tpu.memory_space<hbm>>
      %dma_start3A_269 = tpu.memref_slice %arg8[%mul3A_264] : memref<53248xf32, #tpu.memory_space<vmem>> -> memref<16xf32, #tpu.memory_space<vmem>>
      %dma_start3A_270 = arith.constant 0 : i32
      %dma_start3A_271 = tpu.memref_slice %arg2[%squeeze3A_260, %dma_start3A_270] : memref<2600000x16xf32, #tpu.memory_space<hbm>> -> memref<1x16xf32, #tpu.memory_space<hbm>>
      %dma_start3A_272 = tpu.memref_squeeze %dma_start3A_271 : memref<1x16xf32, #tpu.memory_space<hbm>> -> memref<16xf32, #tpu.memory_space<hbm>>
      tpu.enqueue_dma source(%dma_start3A_272 : memref<16xf32, #tpu.memory_space<hbm>>) target(%dma_start3A_269 : memref<16xf32, #tpu.memory_space<vmem>>) target_semaphore(%arg11 : memref<!tpu.dma_semaphore, #tpu.memory_space<semaphore_mem>>)
      %shift_right_arithmetic3A_273 = arith.constant 3 : i32
      %shift_right_arithmetic3A_274 = arith.shrsi %squeeze3A_260, %shift_right_arithmetic3A_273 : i32
      %mul3A_275 = arith.constant 8 : i32
      %mul3A_276 = arith.muli %shift_right_arithmetic3A_274, %mul3A_275 : i32
      %add3A_277 = arith.constant 9 : i32
      %add3A_278 = arith.addi %mul3A_27, %add3A_277 : i32
      %mul3A_279 = arith.constant 8 : i32
      %mul3A_280 = arith.muli %add3A_278, %mul3A_279 : i32
      %dma_start3A_281 = tpu.memref_slice %arg9[%mul3A_280] : memref<26624xf32, #tpu.memory_space<vmem>> -> memref<8xf32, #tpu.memory_space<vmem>>
      %dma_start3A_282 = tpu.memref_slice %arg3[%mul3A_276] : memref<2600000xf32, #tpu.memory_space<hbm>> -> memref<8xf32, #tpu.memory_space<hbm>>
      %dma_start3A_283 = tpu.memref_slice %arg9[%mul3A_280] : memref<26624xf32, #tpu.memory_space<vmem>> -> memref<8xf32, #tpu.memory_space<vmem>>
      %dma_start3A_284 = tpu.memref_slice %arg3[%mul3A_276] : memref<2600000xf32, #tpu.memory_space<hbm>> -> memref<8xf32, #tpu.memory_space<hbm>>
      tpu.enqueue_dma source(%dma_start3A_284 : memref<8xf32, #tpu.memory_space<hbm>>) target(%dma_start3A_283 : memref<8xf32, #tpu.memory_space<vmem>>) target_semaphore(%arg12 : memref<!tpu.dma_semaphore, #tpu.memory_space<semaphore_mem>>)
      %slice3A_285 = vector.extract_strided_slice %get3A_28 {offsets = [10], sizes = [1], strides = [1]} : vector<16xi32> to vector<1xi32>
      %squeeze3A_286 = vector.extract %slice3A_285[0] : i32 from vector<1xi32>
      %add3A_287 = arith.constant 10 : i32
      %add3A_288 = arith.addi %mul3A_27, %add3A_287 : i32
      %mul3A_289 = arith.constant 16 : i32
      %mul3A_290 = arith.muli %add3A_288, %mul3A_289 : i32
      %dma_start3A_291 = tpu.memref_slice %arg8[%mul3A_290] : memref<53248xf32, #tpu.memory_space<vmem>> -> memref<16xf32, #tpu.memory_space<vmem>>
      %dma_start3A_292 = arith.constant 0 : i32
      %dma_start3A_293 = tpu.memref_slice %arg2[%squeeze3A_286, %dma_start3A_292] : memref<2600000x16xf32, #tpu.memory_space<hbm>> -> memref<1x16xf32, #tpu.memory_space<hbm>>
      %dma_start3A_294 = tpu.memref_squeeze %dma_start3A_293 : memref<1x16xf32, #tpu.memory_space<hbm>> -> memref<16xf32, #tpu.memory_space<hbm>>
      %dma_start3A_295 = tpu.memref_slice %arg8[%mul3A_290] : memref<53248xf32, #tpu.memory_space<vmem>> -> memref<16xf32, #tpu.memory_space<vmem>>
      %dma_start3A_296 = arith.constant 0 : i32
      %dma_start3A_297 = tpu.memref_slice %arg2[%squeeze3A_286, %dma_start3A_296] : memref<2600000x16xf32, #tpu.memory_space<hbm>> -> memref<1x16xf32, #tpu.memory_space<hbm>>
      %dma_start3A_298 = tpu.memref_squeeze %dma_start3A_297 : memref<1x16xf32, #tpu.memory_space<hbm>> -> memref<16xf32, #tpu.memory_space<hbm>>
      tpu.enqueue_dma source(%dma_start3A_298 : memref<16xf32, #tpu.memory_space<hbm>>) target(%dma_start3A_295 : memref<16xf32, #tpu.memory_space<vmem>>) target_semaphore(%arg11 : memref<!tpu.dma_semaphore, #tpu.memory_space<semaphore_mem>>)
      %shift_right_arithmetic3A_299 = arith.constant 3 : i32
      %shift_right_arithmetic3A_300 = arith.shrsi %squeeze3A_286, %shift_right_arithmetic3A_299 : i32
      %mul3A_301 = arith.constant 8 : i32
      %mul3A_302 = arith.muli %shift_right_arithmetic3A_300, %mul3A_301 : i32
      %add3A_303 = arith.constant 10 : i32
      %add3A_304 = arith.addi %mul3A_27, %add3A_303 : i32
      %mul3A_305 = arith.constant 8 : i32
      %mul3A_306 = arith.muli %add3A_304, %mul3A_305 : i32
      %dma_start3A_307 = tpu.memref_slice %arg9[%mul3A_306] : memref<26624xf32, #tpu.memory_space<vmem>> -> memref<8xf32, #tpu.memory_space<vmem>>
      %dma_start3A_308 = tpu.memref_slice %arg3[%mul3A_302] : memref<2600000xf32, #tpu.memory_space<hbm>> -> memref<8xf32, #tpu.memory_space<hbm>>
      %dma_start3A_309 = tpu.memref_slice %arg9[%mul3A_306] : memref<26624xf32, #tpu.memory_space<vmem>> -> memref<8xf32, #tpu.memory_space<vmem>>
      %dma_start3A_310 = tpu.memref_slice %arg3[%mul3A_302] : memref<2600000xf32, #tpu.memory_space<hbm>> -> memref<8xf32, #tpu.memory_space<hbm>>
      tpu.enqueue_dma source(%dma_start3A_310 : memref<8xf32, #tpu.memory_space<hbm>>) target(%dma_start3A_309 : memref<8xf32, #tpu.memory_space<vmem>>) target_semaphore(%arg12 : memref<!tpu.dma_semaphore, #tpu.memory_space<semaphore_mem>>)
      %slice3A_311 = vector.extract_strided_slice %get3A_28 {offsets = [11], sizes = [1], strides = [1]} : vector<16xi32> to vector<1xi32>
      %squeeze3A_312 = vector.extract %slice3A_311[0] : i32 from vector<1xi32>
      %add3A_313 = arith.constant 11 : i32
      %add3A_314 = arith.addi %mul3A_27, %add3A_313 : i32
      %mul3A_315 = arith.constant 16 : i32
      %mul3A_316 = arith.muli %add3A_314, %mul3A_315 : i32
      %dma_start3A_317 = tpu.memref_slice %arg8[%mul3A_316] : memref<53248xf32, #tpu.memory_space<vmem>> -> memref<16xf32, #tpu.memory_space<vmem>>
      %dma_start3A_318 = arith.constant 0 : i32
      %dma_start3A_319 = tpu.memref_slice %arg2[%squeeze3A_312, %dma_start3A_318] : memref<2600000x16xf32, #tpu.memory_space<hbm>> -> memref<1x16xf32, #tpu.memory_space<hbm>>
      %dma_start3A_320 = tpu.memref_squeeze %dma_start3A_319 : memref<1x16xf32, #tpu.memory_space<hbm>> -> memref<16xf32, #tpu.memory_space<hbm>>
      %dma_start3A_321 = tpu.memref_slice %arg8[%mul3A_316] : memref<53248xf32, #tpu.memory_space<vmem>> -> memref<16xf32, #tpu.memory_space<vmem>>
      %dma_start3A_322 = arith.constant 0 : i32
      %dma_start3A_323 = tpu.memref_slice %arg2[%squeeze3A_312, %dma_start3A_322] : memref<2600000x16xf32, #tpu.memory_space<hbm>> -> memref<1x16xf32, #tpu.memory_space<hbm>>
      %dma_start3A_324 = tpu.memref_squeeze %dma_start3A_323 : memref<1x16xf32, #tpu.memory_space<hbm>> -> memref<16xf32, #tpu.memory_space<hbm>>
      tpu.enqueue_dma source(%dma_start3A_324 : memref<16xf32, #tpu.memory_space<hbm>>) target(%dma_start3A_321 : memref<16xf32, #tpu.memory_space<vmem>>) target_semaphore(%arg11 : memref<!tpu.dma_semaphore, #tpu.memory_space<semaphore_mem>>)
      %shift_right_arithmetic3A_325 = arith.constant 3 : i32
      %shift_right_arithmetic3A_326 = arith.shrsi %squeeze3A_312, %shift_right_arithmetic3A_325 : i32
      %mul3A_327 = arith.constant 8 : i32
      %mul3A_328 = arith.muli %shift_right_arithmetic3A_326, %mul3A_327 : i32
      %add3A_329 = arith.constant 11 : i32
      %add3A_330 = arith.addi %mul3A_27, %add3A_329 : i32
      %mul3A_331 = arith.constant 8 : i32
      %mul3A_332 = arith.muli %add3A_330, %mul3A_331 : i32
      %dma_start3A_333 = tpu.memref_slice %arg9[%mul3A_332] : memref<26624xf32, #tpu.memory_space<vmem>> -> memref<8xf32, #tpu.memory_space<vmem>>
      %dma_start3A_334 = tpu.memref_slice %arg3[%mul3A_328] : memref<2600000xf32, #tpu.memory_space<hbm>> -> memref<8xf32, #tpu.memory_space<hbm>>
      %dma_start3A_335 = tpu.memref_slice %arg9[%mul3A_332] : memref<26624xf32, #tpu.memory_space<vmem>> -> memref<8xf32, #tpu.memory_space<vmem>>
      %dma_start3A_336 = tpu.memref_slice %arg3[%mul3A_328] : memref<2600000xf32, #tpu.memory_space<hbm>> -> memref<8xf32, #tpu.memory_space<hbm>>
      tpu.enqueue_dma source(%dma_start3A_336 : memref<8xf32, #tpu.memory_space<hbm>>) target(%dma_start3A_335 : memref<8xf32, #tpu.memory_space<vmem>>) target_semaphore(%arg12 : memref<!tpu.dma_semaphore, #tpu.memory_space<semaphore_mem>>)
      %slice3A_337 = vector.extract_strided_slice %get3A_28 {offsets = [12], sizes = [1], strides = [1]} : vector<16xi32> to vector<1xi32>
      %squeeze3A_338 = vector.extract %slice3A_337[0] : i32 from vector<1xi32>
      %add3A_339 = arith.constant 12 : i32
      %add3A_340 = arith.addi %mul3A_27, %add3A_339 : i32
      %mul3A_341 = arith.constant 16 : i32
      %mul3A_342 = arith.muli %add3A_340, %mul3A_341 : i32
      %dma_start3A_343 = tpu.memref_slice %arg8[%mul3A_342] : memref<53248xf32, #tpu.memory_space<vmem>> -> memref<16xf32, #tpu.memory_space<vmem>>
      %dma_start3A_344 = arith.constant 0 : i32
      %dma_start3A_345 = tpu.memref_slice %arg2[%squeeze3A_338, %dma_start3A_344] : memref<2600000x16xf32, #tpu.memory_space<hbm>> -> memref<1x16xf32, #tpu.memory_space<hbm>>
      %dma_start3A_346 = tpu.memref_squeeze %dma_start3A_345 : memref<1x16xf32, #tpu.memory_space<hbm>> -> memref<16xf32, #tpu.memory_space<hbm>>
      %dma_start3A_347 = tpu.memref_slice %arg8[%mul3A_342] : memref<53248xf32, #tpu.memory_space<vmem>> -> memref<16xf32, #tpu.memory_space<vmem>>
      %dma_start3A_348 = arith.constant 0 : i32
      %dma_start3A_349 = tpu.memref_slice %arg2[%squeeze3A_338, %dma_start3A_348] : memref<2600000x16xf32, #tpu.memory_space<hbm>> -> memref<1x16xf32, #tpu.memory_space<hbm>>
      %dma_start3A_350 = tpu.memref_squeeze %dma_start3A_349 : memref<1x16xf32, #tpu.memory_space<hbm>> -> memref<16xf32, #tpu.memory_space<hbm>>
      tpu.enqueue_dma source(%dma_start3A_350 : memref<16xf32, #tpu.memory_space<hbm>>) target(%dma_start3A_347 : memref<16xf32, #tpu.memory_space<vmem>>) target_semaphore(%arg11 : memref<!tpu.dma_semaphore, #tpu.memory_space<semaphore_mem>>)
      %shift_right_arithmetic3A_351 = arith.constant 3 : i32
      %shift_right_arithmetic3A_352 = arith.shrsi %squeeze3A_338, %shift_right_arithmetic3A_351 : i32
      %mul3A_353 = arith.constant 8 : i32
      %mul3A_354 = arith.muli %shift_right_arithmetic3A_352, %mul3A_353 : i32
      %add3A_355 = arith.constant 12 : i32
      %add3A_356 = arith.addi %mul3A_27, %add3A_355 : i32
      %mul3A_357 = arith.constant 8 : i32
      %mul3A_358 = arith.muli %add3A_356, %mul3A_357 : i32
      %dma_start3A_359 = tpu.memref_slice %arg9[%mul3A_358] : memref<26624xf32, #tpu.memory_space<vmem>> -> memref<8xf32, #tpu.memory_space<vmem>>
      %dma_start3A_360 = tpu.memref_slice %arg3[%mul3A_354] : memref<2600000xf32, #tpu.memory_space<hbm>> -> memref<8xf32, #tpu.memory_space<hbm>>
      %dma_start3A_361 = tpu.memref_slice %arg9[%mul3A_358] : memref<26624xf32, #tpu.memory_space<vmem>> -> memref<8xf32, #tpu.memory_space<vmem>>
      %dma_start3A_362 = tpu.memref_slice %arg3[%mul3A_354] : memref<2600000xf32, #tpu.memory_space<hbm>> -> memref<8xf32, #tpu.memory_space<hbm>>
      tpu.enqueue_dma source(%dma_start3A_362 : memref<8xf32, #tpu.memory_space<hbm>>) target(%dma_start3A_361 : memref<8xf32, #tpu.memory_space<vmem>>) target_semaphore(%arg12 : memref<!tpu.dma_semaphore, #tpu.memory_space<semaphore_mem>>)
      %slice3A_363 = vector.extract_strided_slice %get3A_28 {offsets = [13], sizes = [1], strides = [1]} : vector<16xi32> to vector<1xi32>
      %squeeze3A_364 = vector.extract %slice3A_363[0] : i32 from vector<1xi32>
      %add3A_365 = arith.constant 13 : i32
      %add3A_366 = arith.addi %mul3A_27, %add3A_365 : i32
      %mul3A_367 = arith.constant 16 : i32
      %mul3A_368 = arith.muli %add3A_366, %mul3A_367 : i32
      %dma_start3A_369 = tpu.memref_slice %arg8[%mul3A_368] : memref<53248xf32, #tpu.memory_space<vmem>> -> memref<16xf32, #tpu.memory_space<vmem>>
      %dma_start3A_370 = arith.constant 0 : i32
      %dma_start3A_371 = tpu.memref_slice %arg2[%squeeze3A_364, %dma_start3A_370] : memref<2600000x16xf32, #tpu.memory_space<hbm>> -> memref<1x16xf32, #tpu.memory_space<hbm>>
      %dma_start3A_372 = tpu.memref_squeeze %dma_start3A_371 : memref<1x16xf32, #tpu.memory_space<hbm>> -> memref<16xf32, #tpu.memory_space<hbm>>
      %dma_start3A_373 = tpu.memref_slice %arg8[%mul3A_368] : memref<53248xf32, #tpu.memory_space<vmem>> -> memref<16xf32, #tpu.memory_space<vmem>>
      %dma_start3A_374 = arith.constant 0 : i32
      %dma_start3A_375 = tpu.memref_slice %arg2[%squeeze3A_364, %dma_start3A_374] : memref<2600000x16xf32, #tpu.memory_space<hbm>> -> memref<1x16xf32, #tpu.memory_space<hbm>>
      %dma_start3A_376 = tpu.memref_squeeze %dma_start3A_375 : memref<1x16xf32, #tpu.memory_space<hbm>> -> memref<16xf32, #tpu.memory_space<hbm>>
      tpu.enqueue_dma source(%dma_start3A_376 : memref<16xf32, #tpu.memory_space<hbm>>) target(%dma_start3A_373 : memref<16xf32, #tpu.memory_space<vmem>>) target_semaphore(%arg11 : memref<!tpu.dma_semaphore, #tpu.memory_space<semaphore_mem>>)
      %shift_right_arithmetic3A_377 = arith.constant 3 : i32
      %shift_right_arithmetic3A_378 = arith.shrsi %squeeze3A_364, %shift_right_arithmetic3A_377 : i32
      %mul3A_379 = arith.constant 8 : i32
      %mul3A_380 = arith.muli %shift_right_arithmetic3A_378, %mul3A_379 : i32
      %add3A_381 = arith.constant 13 : i32
      %add3A_382 = arith.addi %mul3A_27, %add3A_381 : i32
      %mul3A_383 = arith.constant 8 : i32
      %mul3A_384 = arith.muli %add3A_382, %mul3A_383 : i32
      %dma_start3A_385 = tpu.memref_slice %arg9[%mul3A_384] : memref<26624xf32, #tpu.memory_space<vmem>> -> memref<8xf32, #tpu.memory_space<vmem>>
      %dma_start3A_386 = tpu.memref_slice %arg3[%mul3A_380] : memref<2600000xf32, #tpu.memory_space<hbm>> -> memref<8xf32, #tpu.memory_space<hbm>>
      %dma_start3A_387 = tpu.memref_slice %arg9[%mul3A_384] : memref<26624xf32, #tpu.memory_space<vmem>> -> memref<8xf32, #tpu.memory_space<vmem>>
      %dma_start3A_388 = tpu.memref_slice %arg3[%mul3A_380] : memref<2600000xf32, #tpu.memory_space<hbm>> -> memref<8xf32, #tpu.memory_space<hbm>>
      tpu.enqueue_dma source(%dma_start3A_388 : memref<8xf32, #tpu.memory_space<hbm>>) target(%dma_start3A_387 : memref<8xf32, #tpu.memory_space<vmem>>) target_semaphore(%arg12 : memref<!tpu.dma_semaphore, #tpu.memory_space<semaphore_mem>>)
      %slice3A_389 = vector.extract_strided_slice %get3A_28 {offsets = [14], sizes = [1], strides = [1]} : vector<16xi32> to vector<1xi32>
      %squeeze3A_390 = vector.extract %slice3A_389[0] : i32 from vector<1xi32>
      %add3A_391 = arith.constant 14 : i32
      %add3A_392 = arith.addi %mul3A_27, %add3A_391 : i32
      %mul3A_393 = arith.constant 16 : i32
      %mul3A_394 = arith.muli %add3A_392, %mul3A_393 : i32
      %dma_start3A_395 = tpu.memref_slice %arg8[%mul3A_394] : memref<53248xf32, #tpu.memory_space<vmem>> -> memref<16xf32, #tpu.memory_space<vmem>>
      %dma_start3A_396 = arith.constant 0 : i32
      %dma_start3A_397 = tpu.memref_slice %arg2[%squeeze3A_390, %dma_start3A_396] : memref<2600000x16xf32, #tpu.memory_space<hbm>> -> memref<1x16xf32, #tpu.memory_space<hbm>>
      %dma_start3A_398 = tpu.memref_squeeze %dma_start3A_397 : memref<1x16xf32, #tpu.memory_space<hbm>> -> memref<16xf32, #tpu.memory_space<hbm>>
      %dma_start3A_399 = tpu.memref_slice %arg8[%mul3A_394] : memref<53248xf32, #tpu.memory_space<vmem>> -> memref<16xf32, #tpu.memory_space<vmem>>
      %dma_start3A_400 = arith.constant 0 : i32
      %dma_start3A_401 = tpu.memref_slice %arg2[%squeeze3A_390, %dma_start3A_400] : memref<2600000x16xf32, #tpu.memory_space<hbm>> -> memref<1x16xf32, #tpu.memory_space<hbm>>
      %dma_start3A_402 = tpu.memref_squeeze %dma_start3A_401 : memref<1x16xf32, #tpu.memory_space<hbm>> -> memref<16xf32, #tpu.memory_space<hbm>>
      tpu.enqueue_dma source(%dma_start3A_402 : memref<16xf32, #tpu.memory_space<hbm>>) target(%dma_start3A_399 : memref<16xf32, #tpu.memory_space<vmem>>) target_semaphore(%arg11 : memref<!tpu.dma_semaphore, #tpu.memory_space<semaphore_mem>>)
      %shift_right_arithmetic3A_403 = arith.constant 3 : i32
      %shift_right_arithmetic3A_404 = arith.shrsi %squeeze3A_390, %shift_right_arithmetic3A_403 : i32
      %mul3A_405 = arith.constant 8 : i32
      %mul3A_406 = arith.muli %shift_right_arithmetic3A_404, %mul3A_405 : i32
      %add3A_407 = arith.constant 14 : i32
      %add3A_408 = arith.addi %mul3A_27, %add3A_407 : i32
      %mul3A_409 = arith.constant 8 : i32
      %mul3A_410 = arith.muli %add3A_408, %mul3A_409 : i32
      %dma_start3A_411 = tpu.memref_slice %arg9[%mul3A_410] : memref<26624xf32, #tpu.memory_space<vmem>> -> memref<8xf32, #tpu.memory_space<vmem>>
      %dma_start3A_412 = tpu.memref_slice %arg3[%mul3A_406] : memref<2600000xf32, #tpu.memory_space<hbm>> -> memref<8xf32, #tpu.memory_space<hbm>>
      %dma_start3A_413 = tpu.memref_slice %arg9[%mul3A_410] : memref<26624xf32, #tpu.memory_space<vmem>> -> memref<8xf32, #tpu.memory_space<vmem>>
      %dma_start3A_414 = tpu.memref_slice %arg3[%mul3A_406] : memref<2600000xf32, #tpu.memory_space<hbm>> -> memref<8xf32, #tpu.memory_space<hbm>>
      tpu.enqueue_dma source(%dma_start3A_414 : memref<8xf32, #tpu.memory_space<hbm>>) target(%dma_start3A_413 : memref<8xf32, #tpu.memory_space<vmem>>) target_semaphore(%arg12 : memref<!tpu.dma_semaphore, #tpu.memory_space<semaphore_mem>>)
      %slice3A_415 = vector.extract_strided_slice %get3A_28 {offsets = [15], sizes = [1], strides = [1]} : vector<16xi32> to vector<1xi32>
      %squeeze3A_416 = vector.extract %slice3A_415[0] : i32 from vector<1xi32>
      %add3A_417 = arith.constant 15 : i32
      %add3A_418 = arith.addi %mul3A_27, %add3A_417 : i32
      %mul3A_419 = arith.constant 16 : i32
      %mul3A_420 = arith.muli %add3A_418, %mul3A_419 : i32
      %dma_start3A_421 = tpu.memref_slice %arg8[%mul3A_420] : memref<53248xf32, #tpu.memory_space<vmem>> -> memref<16xf32, #tpu.memory_space<vmem>>
      %dma_start3A_422 = arith.constant 0 : i32
      %dma_start3A_423 = tpu.memref_slice %arg2[%squeeze3A_416, %dma_start3A_422] : memref<2600000x16xf32, #tpu.memory_space<hbm>> -> memref<1x16xf32, #tpu.memory_space<hbm>>
      %dma_start3A_424 = tpu.memref_squeeze %dma_start3A_423 : memref<1x16xf32, #tpu.memory_space<hbm>> -> memref<16xf32, #tpu.memory_space<hbm>>
      %dma_start3A_425 = tpu.memref_slice %arg8[%mul3A_420] : memref<53248xf32, #tpu.memory_space<vmem>> -> memref<16xf32, #tpu.memory_space<vmem>>
      %dma_start3A_426 = arith.constant 0 : i32
      %dma_start3A_427 = tpu.memref_slice %arg2[%squeeze3A_416, %dma_start3A_426] : memref<2600000x16xf32, #tpu.memory_space<hbm>> -> memref<1x16xf32, #tpu.memory_space<hbm>>
      %dma_start3A_428 = tpu.memref_squeeze %dma_start3A_427 : memref<1x16xf32, #tpu.memory_space<hbm>> -> memref<16xf32, #tpu.memory_space<hbm>>
      tpu.enqueue_dma source(%dma_start3A_428 : memref<16xf32, #tpu.memory_space<hbm>>) target(%dma_start3A_425 : memref<16xf32, #tpu.memory_space<vmem>>) target_semaphore(%arg11 : memref<!tpu.dma_semaphore, #tpu.memory_space<semaphore_mem>>)
      %shift_right_arithmetic3A_429 = arith.constant 3 : i32
      %shift_right_arithmetic3A_430 = arith.shrsi %squeeze3A_416, %shift_right_arithmetic3A_429 : i32
      %mul3A_431 = arith.constant 8 : i32
      %mul3A_432 = arith.muli %shift_right_arithmetic3A_430, %mul3A_431 : i32
      %add3A_433 = arith.constant 15 : i32
      %add3A_434 = arith.addi %mul3A_27, %add3A_433 : i32
      %mul3A_435 = arith.constant 8 : i32
      %mul3A_436 = arith.muli %add3A_434, %mul3A_435 : i32
      %dma_start3A_437 = tpu.memref_slice %arg9[%mul3A_436] : memref<26624xf32, #tpu.memory_space<vmem>> -> memref<8xf32, #tpu.memory_space<vmem>>
      %dma_start3A_438 = tpu.memref_slice %arg3[%mul3A_432] : memref<2600000xf32, #tpu.memory_space<hbm>> -> memref<8xf32, #tpu.memory_space<hbm>>
      %dma_start3A_439 = tpu.memref_slice %arg9[%mul3A_436] : memref<26624xf32, #tpu.memory_space<vmem>> -> memref<8xf32, #tpu.memory_space<vmem>>
      %dma_start3A_440 = tpu.memref_slice %arg3[%mul3A_432] : memref<2600000xf32, #tpu.memory_space<hbm>> -> memref<8xf32, #tpu.memory_space<hbm>>
      tpu.enqueue_dma source(%dma_start3A_440 : memref<8xf32, #tpu.memory_space<hbm>>) target(%dma_start3A_439 : memref<8xf32, #tpu.memory_space<vmem>>) target_semaphore(%arg12 : memref<!tpu.dma_semaphore, #tpu.memory_space<semaphore_mem>>)
    }
    %scan3A_6 = arith.constant 208 : i32
    %mul3A_7 = arith.constant 16 : i32
    %mul3A_8 = arith.muli %mul3A_2, %mul3A_7 : i32
    %dma_wait3A = tpu.memref_slice %arg5[%mul3A_8] : memref<1703936xf32, #tpu.memory_space<hbm>> -> memref<53248xf32, #tpu.memory_space<hbm>>
    %dma_wait3A_9 = tpu.memref_slice %arg5[%mul3A_8] : memref<1703936xf32, #tpu.memory_space<hbm>> -> memref<53248xf32, #tpu.memory_space<hbm>>
    tpu.wait_dma2 semaphore(%arg11 : memref<!tpu.dma_semaphore, #tpu.memory_space<semaphore_mem>>) src(%dma_wait3A_9 : memref<53248xf32, #tpu.memory_space<hbm>>) dst(%arg8 : memref<53248xf32, #tpu.memory_space<vmem>>)
    %dma_wait3A_10 = arith.constant 0 : i32
    %dma_wait3A_11 = tpu.memref_slice %arg5[%dma_wait3A_10] : memref<1703936xf32, #tpu.memory_space<hbm>> -> memref<26624xf32, #tpu.memory_space<hbm>>
    %dma_wait3A_12 = arith.constant 0 : i32
    %dma_wait3A_13 = tpu.memref_slice %arg5[%dma_wait3A_12] : memref<1703936xf32, #tpu.memory_space<hbm>> -> memref<26624xf32, #tpu.memory_space<hbm>>
    tpu.wait_dma2 semaphore(%arg12 : memref<!tpu.dma_semaphore, #tpu.memory_space<semaphore_mem>>) src(%dma_wait3A_13 : memref<26624xf32, #tpu.memory_space<hbm>>) dst(%arg9 : memref<26624xf32, #tpu.memory_space<vmem>>)
    %scan3A_14 = arith.constant 0 : i32
    %scan3A_15 = arith.constant 208 : i32
    %scan3A_16 = arith.addi %scan3A_14, %scan3A_15 : i32
    %scan3A_17 = arith.constant 1 : i32
    scf.for %scan3A_21 = %scan3A_14 to %scan3A_16 step %scan3A_17  : i32 {
      %mul3A_22 = arith.constant 1 : i32
      %mul3A_23 = arith.muli %scan3A_21, %mul3A_22 : i32
      %add3A_24 = arith.constant 0 : i32
      %add3A_25 = arith.addi %add3A_24, %mul3A_23 : i32
      %mul3A_26 = arith.constant 16 : i32
      %mul3A_27 = arith.muli %add3A_25, %mul3A_26 : i32
      %get3A = arith.index_cast %mul3A_27 : i32 to index
      %get3A_28 = tpu.vector_load %arg7[%get3A] {strides = array<i32>} : memref<3328xi32, #tpu.memory_space<vmem>>, vector<16xi32>,
      %iota3A = tpu.iota {dimensions = array<i32: 0>} : vector<16xi32>
      %add3A_29 = vector.broadcast %mul3A_27 : i32 to vector<16xi32>
      %add3A_30 = arith.addi %iota3A, %add3A_29 : vector<16xi32>
      %mul3A_31 = arith.constant 8 : i32
      %mul3A_32 = vector.broadcast %mul3A_31 : i32 to vector<16xi32>
      %mul3A_33 = arith.muli %add3A_30, %mul3A_32 : vector<16xi32>
      %and3A = arith.constant 7 : i32
      %and3A_34 = vector.broadcast %and3A : i32 to vector<16xi32>
      %and3A_35 = arith.andi %get3A_28, %and3A_34 : vector<16xi32>
      %add3A_36 = arith.addi %mul3A_33, %and3A_35 : vector<16xi32>
      %gather3A = tpu.vector_load_idx %arg9[%add3A_36] : memref<26624xf32, #tpu.memory_space<vmem>>[vector<16xi32>], vector<16xf32>,
      %swap3A = arith.index_cast %mul3A_27 : i32 to index
      %swap3A_37 = tpu.vector_load %arg10[%swap3A] {strides = array<i32>} : memref<3328xf32, #tpu.memory_space<vmem>>, vector<16xf32>,
      tpu.vector_store %arg10[%swap3A], %gather3A {strides = array<i32>} : memref<3328xf32, #tpu.memory_space<vmem>>, vector<16xf32>,
    }
    %scan3A_18 = arith.constant 208 : i32
    %mul3A_19 = arith.constant 16 : i32
    %mul3A_20 = arith.muli %mul3A_2, %mul3A_19 : i32
    "tpu.region"() ({
      %run_scoped3A = tpu.sem_alloc : memref<!tpu.dma_semaphore, #tpu.memory_space<semaphore_mem>>
      %dma_start3A = tpu.memref_slice %arg5[%mul3A_20] : memref<1703936xf32, #tpu.memory_space<hbm>> -> memref<53248xf32, #tpu.memory_space<hbm>>
      %dma_start3A_21 = tpu.memref_slice %arg5[%mul3A_20] : memref<1703936xf32, #tpu.memory_space<hbm>> -> memref<53248xf32, #tpu.memory_space<hbm>>
      tpu.enqueue_dma source(%arg8 : memref<53248xf32, #tpu.memory_space<vmem>>) target(%dma_start3A_21 : memref<53248xf32, #tpu.memory_space<hbm>>) target_semaphore(%run_scoped3A : memref<!tpu.dma_semaphore, #tpu.memory_space<semaphore_mem>>)
      %dma_wait3A_22 = tpu.memref_slice %arg5[%mul3A_20] : memref<1703936xf32, #tpu.memory_space<hbm>> -> memref<53248xf32, #tpu.memory_space<hbm>>
      %dma_wait3A_23 = tpu.memref_slice %arg5[%mul3A_20] : memref<1703936xf32, #tpu.memory_space<hbm>> -> memref<53248xf32, #tpu.memory_space<hbm>>
      tpu.wait_dma2 semaphore(%run_scoped3A : memref<!tpu.dma_semaphore, #tpu.memory_space<semaphore_mem>>) src(%arg8 : memref<53248xf32, #tpu.memory_space<vmem>>) dst(%dma_wait3A_23 : memref<53248xf32, #tpu.memory_space<hbm>>)
      tpu.yield
    }) : () -> ()
    "tpu.region"() ({
      %run_scoped3A = tpu.sem_alloc : memref<!tpu.dma_semaphore, #tpu.memory_space<semaphore_mem>>
      %dma_start3A = tpu.memref_slice %arg6[%mul3A_2] : memref<106496xf32, #tpu.memory_space<hbm>> -> memref<3328xf32, #tpu.memory_space<hbm>>
      %dma_start3A_21 = tpu.memref_slice %arg6[%mul3A_2] : memref<106496xf32, #tpu.memory_space<hbm>> -> memref<3328xf32, #tpu.memory_space<hbm>>
      tpu.enqueue_dma source(%arg10 : memref<3328xf32, #tpu.memory_space<vmem>>) target(%dma_start3A_21 : memref<3328xf32, #tpu.memory_space<hbm>>) target_semaphore(%run_scoped3A : memref<!tpu.dma_semaphore, #tpu.memory_space<semaphore_mem>>)
      %dma_wait3A_22 = tpu.memref_slice %arg6[%mul3A_2] : memref<106496xf32, #tpu.memory_space<hbm>> -> memref<3328xf32, #tpu.memory_space<hbm>>
      %dma_wait3A_23 = tpu.memref_slice %arg6[%mul3A_2] : memref<106496xf32, #tpu.memory_space<hbm>> -> memref<3328xf32, #tpu.memory_space<hbm>>
      tpu.wait_dma2 semaphore(%run_scoped3A : memref<!tpu.dma_semaphore, #tpu.memory_space<semaphore_mem>>) src(%arg10 : memref<3328xf32, #tpu.memory_space<vmem>>) dst(%dma_wait3A_23 : memref<3328xf32, #tpu.memory_space<hbm>>)
      tpu.yield
    }) : () -> ()
    return
  }
}

module attributes {stable_mosaic.version = 14 : i64} {
  func.func @_tc_body(%arg0: memref<4096x416xf32, #tpu.memory_space<vmem>>, %arg1: memref<4096x26xf32, #tpu.memory_space<vmem>>, %arg2: memref<4096x13xf32, #tpu.memory_space<vmem>>, %arg3: memref<13x1xf32, #tpu.memory_space<vmem>>, %arg4: memref<1x1xf32, #tpu.memory_space<vmem>>, %arg5: memref<13x416xf32, #tpu.memory_space<vmem>>, %arg6: memref<1x416xf32, #tpu.memory_space<vmem>>, %arg7: memref<1x416xf32, #tpu.memory_space<vmem>>, %arg8: memref<1x416xf32, #tpu.memory_space<vmem>>, %arg9: memref<416x128xf32, #tpu.memory_space<vmem>>, %arg10: memref<1x128xf32, #tpu.memory_space<vmem>>, %arg11: memref<1x128xf32, #tpu.memory_space<vmem>>, %arg12: memref<1x128xf32, #tpu.memory_space<vmem>>, %arg13: memref<128x128xf32, #tpu.memory_space<vmem>>, %arg14: memref<1x128xf32, #tpu.memory_space<vmem>>, %arg15: memref<1x128xf32, #tpu.memory_space<vmem>>, %arg16: memref<1x128xf32, #tpu.memory_space<vmem>>, %arg17: memref<128x1xf32, #tpu.memory_space<vmem>>, %arg18: memref<1x1xf32, #tpu.memory_space<vmem>>, %arg19: memref<4096x1xf32, #tpu.memory_space<vmem>>) attributes {dimension_semantics = [], scalar_prefetch = 0 : i64, scratch_operands = 0 : i64, tpu.core_type = #tpu.core_type<tc>} {
    %get3A = arith.constant 0 : index
    %get3A_0 = arith.constant 0 : index
    %get3A_1 = vector.load %arg2[%get3A, %get3A_0] : memref<4096x13xf32, #tpu.memory_space<vmem>>, vector<4096x13xf32>
    %get3A_2 = arith.constant 0 : index
    %get3A_3 = arith.constant 0 : index
    %get3A_4 = vector.load %arg0[%get3A_2, %get3A_3] : memref<4096x416xf32, #tpu.memory_space<vmem>>, vector<4096x416xf32>
    %get3A_5 = arith.constant 0 : index
    %get3A_6 = arith.constant 0 : index
    %get3A_7 = vector.load %arg1[%get3A_5, %get3A_6] : memref<4096x26xf32, #tpu.memory_space<vmem>>, vector<4096x26xf32>
    %reduce_sum3A = arith.constant dense<0.000000e+00> : vector<4096xf32>
    %reduce_sum3A_8 = vector.multi_reduction <add>, %get3A_7, %reduce_sum3A [1] : vector<4096x26xf32> to vector<4096xf32>
    %broadcast_in_dim3A = vector.shape_cast %reduce_sum3A_8 : vector<4096xf32> to vector<4096x1xf32>
    %get3A_9 = arith.constant 0 : index
    %get3A_10 = arith.constant 0 : index
    %get3A_11 = vector.load %arg3[%get3A_9, %get3A_10] : memref<13x1xf32, #tpu.memory_space<vmem>>, vector<13x1xf32>
    %dot_general3A = arith.constant dense<0.000000e+00> : vector<4096x1xf32>
    %dot_general3A_12 = tpu.matmul %get3A_1, %get3A_11, %dot_general3A {dimension_numbers = #tpu.dot_dimension_numbers<[1], [0], [0], [1], [0, 0, 1, 1], [], []>, precision = #tpu.contract_precision<fp32>, transpose_lhs_hint = false} : vector<4096x13xf32>, vector<13x1xf32>, vector<4096x1xf32> -> vector<4096x1xf32>
    %add3A = arith.addf %broadcast_in_dim3A, %dot_general3A_12 : vector<4096x1xf32>
    %get3A_13 = arith.constant 0 : index
    %get3A_14 = arith.constant 0 : index
    %get3A_15 = vector.load %arg4[%get3A_13, %get3A_14] : memref<1x1xf32, #tpu.memory_space<vmem>>, vector<1x1xf32>
    %add3A_16 = vector.broadcast %get3A_15 : vector<1x1xf32> to vector<4096x1xf32>
    %add3A_17 = arith.addf %add3A, %add3A_16 : vector<4096x1xf32>
    %iota3A = tpu.iota {dimensions = array<i32: 0>} : vector<416x16xi32>
    %iota3A_18 = tpu.iota {dimensions = array<i32: 1>} : vector<416x16xi32>
    %jit3A = arith.constant 16 : i32
    %eq3A = arith.constant 0 : i32
    %eq3A_19 = arith.cmpi eq, %jit3A, %eq3A : i32
    %jit3A_20 = arith.constant 1 : i32
    %select_n3A = arith.select %eq3A_19, %jit3A_20, %jit3A : i32
    %rem3A = vector.broadcast %select_n3A : i32 to vector<416x16xi32>
    %rem3A_21 = arith.remsi %iota3A, %rem3A : vector<416x16xi32>
    %ne3A = arith.constant 0 : i32
    %ne3A_22 = vector.broadcast %ne3A : i32 to vector<416x16xi32>
    %ne3A_23 = arith.cmpi ne, %rem3A_21, %ne3A_22 : vector<416x16xi32>
    %lt3A = arith.constant 0 : i32
    %lt3A_24 = vector.broadcast %lt3A : i32 to vector<416x16xi32>
    %lt3A_25 = arith.cmpi slt, %rem3A_21, %lt3A_24 : vector<416x16xi32>
    %lt3A_26 = arith.constant 0 : i32
    %lt3A_27 = arith.cmpi slt, %select_n3A, %lt3A_26 : i32
    %ne3A_28 = vector.broadcast %lt3A_27 : i1 to vector<416x16xi1>
    %ne3A_29 = vector.broadcast %ne3A_28 : vector<416x16xi1> to vector<416x16xi1>
    %ne3A_30 = arith.xori %lt3A_25, %ne3A_29 : vector<416x16xi1>
    %and3A = arith.andi %ne3A_30, %ne3A_23 : vector<416x16xi1>
    %add3A_31 = vector.broadcast %select_n3A : i32 to vector<416x16xi32>
    %add3A_32 = arith.addi %rem3A_21, %add3A_31 : vector<416x16xi32>
    %select_n3A_33 = arith.select %and3A, %add3A_32, %rem3A_21 : vector<416x16xi1>, vector<416x16xi32>
    %eq3A_34 = arith.cmpi eq, %select_n3A_33, %iota3A_18 : vector<416x16xi32>
    %convert_element_type3A = arith.extui %eq3A_34 : vector<416x16xi1> to vector<416x16xi32>
    %convert_element_type3A_35 = arith.sitofp %convert_element_type3A : vector<416x16xi32> to vector<416x16xf32>
    %dot_general3A_36 = arith.constant dense<0.000000e+00> : vector<4096x16xf32>
    %dot_general3A_37 = tpu.matmul %get3A_4, %convert_element_type3A_35, %dot_general3A_36 {dimension_numbers = #tpu.dot_dimension_numbers<[1], [0], [0], [1], [0, 0, 1, 1], [], []>, precision = #tpu.contract_precision<fp32>, transpose_lhs_hint = false} : vector<4096x416xf32>, vector<416x16xf32>, vector<4096x16xf32> -> vector<4096x16xf32>
    %mul3A = arith.mulf %get3A_4, %get3A_4 : vector<4096x416xf32>
    %dot_general3A_38 = arith.constant dense<0.000000e+00> : vector<4096x16xf32>
    %dot_general3A_39 = tpu.matmul %mul3A, %convert_element_type3A_35, %dot_general3A_38 {dimension_numbers = #tpu.dot_dimension_numbers<[1], [0], [0], [1], [0, 0, 1, 1], [], []>, precision = #tpu.contract_precision<fp32>, transpose_lhs_hint = false} : vector<4096x416xf32>, vector<416x16xf32>, vector<4096x16xf32> -> vector<4096x16xf32>
    %mul3A_40 = arith.mulf %dot_general3A_37, %dot_general3A_37 : vector<4096x16xf32>
    %sub3A = arith.subf %mul3A_40, %dot_general3A_39 : vector<4096x16xf32>
    %reduce_sum3A_41 = arith.constant dense<0.000000e+00> : vector<4096xf32>
    %reduce_sum3A_42 = vector.multi_reduction <add>, %sub3A, %reduce_sum3A_41 [1] : vector<4096x16xf32> to vector<4096xf32>
    %broadcast_in_dim3A_43 = vector.shape_cast %reduce_sum3A_42 : vector<4096xf32> to vector<4096x1xf32>
    %mul3A_44 = arith.constant 5.000000e-01 : f32
    %mul3A_45 = vector.broadcast %mul3A_44 : f32 to vector<4096x1xf32>
    %mul3A_46 = arith.mulf %mul3A_45, %broadcast_in_dim3A_43 : vector<4096x1xf32>
    %get3A_47 = arith.constant 0 : index
    %get3A_48 = arith.constant 0 : index
    %get3A_49 = vector.load %arg5[%get3A_47, %get3A_48] : memref<13x416xf32, #tpu.memory_space<vmem>>, vector<13x416xf32>
    %dot_general3A_50 = arith.constant dense<0.000000e+00> : vector<4096x416xf32>
    %dot_general3A_51 = tpu.matmul %get3A_1, %get3A_49, %dot_general3A_50 {dimension_numbers = #tpu.dot_dimension_numbers<[1], [0], [0], [1], [0, 0, 1, 1], [], []>, precision = #tpu.contract_precision<fp32>, transpose_lhs_hint = false} : vector<4096x13xf32>, vector<13x416xf32>, vector<4096x416xf32> -> vector<4096x416xf32>
    %get3A_52 = arith.constant 0 : index
    %get3A_53 = arith.constant 0 : index
    %get3A_54 = vector.load %arg6[%get3A_52, %get3A_53] : memref<1x416xf32, #tpu.memory_space<vmem>>, vector<1x416xf32>
    %add3A_55 = vector.broadcast %get3A_54 : vector<1x416xf32> to vector<4096x416xf32>
    %add3A_56 = arith.addf %dot_general3A_51, %add3A_55 : vector<4096x416xf32>
    %get3A_57 = arith.constant 0 : index
    %get3A_58 = arith.constant 0 : index
    %get3A_59 = vector.load %arg7[%get3A_57, %get3A_58] : memref<1x416xf32, #tpu.memory_space<vmem>>, vector<1x416xf32>
    %get3A_60 = arith.constant 0 : index
    %get3A_61 = arith.constant 0 : index
    %get3A_62 = vector.load %arg8[%get3A_60, %get3A_61] : memref<1x416xf32, #tpu.memory_space<vmem>>, vector<1x416xf32>
    %reduce_sum3A_63 = arith.constant dense<0.000000e+00> : vector<416xf32>
    %reduce_sum3A_64 = vector.multi_reduction <add>, %add3A_56, %reduce_sum3A_63 [0] : vector<4096x416xf32> to vector<416xf32>
    %div3A = arith.constant 4.096000e+03 : f32
    %div3A_65 = vector.broadcast %div3A : f32 to vector<416xf32>
    %div3A_66 = arith.divf %reduce_sum3A_64, %div3A_65 : vector<416xf32>
    %jit3A_67 = arith.constant 0 : i32
    %reduce_sum3A_68 = arith.constant dense<0.000000e+00> : vector<416xf32>
    %reduce_sum3A_69 = vector.multi_reduction <add>, %add3A_56, %reduce_sum3A_68 [0] : vector<4096x416xf32> to vector<416xf32>
    %broadcast_in_dim3A_70 = vector.shape_cast %reduce_sum3A_69 : vector<416xf32> to vector<1x416xf32>
    %div3A_71 = arith.constant 4.096000e+03 : f32
    %div3A_72 = vector.broadcast %div3A_71 : f32 to vector<1x416xf32>
    %div3A_73 = arith.divf %broadcast_in_dim3A_70, %div3A_72 : vector<1x416xf32>
    %sub3A_74 = vector.broadcast %div3A_73 : vector<1x416xf32> to vector<4096x416xf32>
    %sub3A_75 = arith.subf %add3A_56, %sub3A_74 : vector<4096x416xf32>
    %square3A = arith.mulf %sub3A_75, %sub3A_75 : vector<4096x416xf32>
    %convert_element_type3A_76 = arith.sitofp %jit3A_67 : i32 to f32
    %sub3A_77 = arith.constant 4.096000e+03 : f32
    %sub3A_78 = arith.subf %sub3A_77, %convert_element_type3A_76 : f32
    %reduce_sum3A_79 = arith.constant dense<0.000000e+00> : vector<416xf32>
    %reduce_sum3A_80 = vector.multi_reduction <add>, %square3A, %reduce_sum3A_79 [0] : vector<4096x416xf32> to vector<416xf32>
    %div3A_81 = vector.broadcast %sub3A_78 : f32 to vector<416xf32>
    %div3A_82 = arith.divf %reduce_sum3A_80, %div3A_81 : vector<416xf32>
    %gt3A = arith.constant 0.000000e+00 : f32
    %gt3A_83 = arith.cmpf ogt, %sub3A_78, %gt3A : f32
    %jit3A_84 = arith.constant 0x7FC00000 : f32
    %broadcast_in_dim3A_85 = vector.broadcast %jit3A_84 : f32 to vector<416xf32>
    %select_n3A_86 = arith.select %gt3A_83, %div3A_82, %broadcast_in_dim3A_85 : vector<416xf32>
    %broadcast_in_dim3A_87 = vector.shape_cast %div3A_66 : vector<416xf32> to vector<1x416xf32>
    %sub3A_88 = vector.broadcast %broadcast_in_dim3A_87 : vector<1x416xf32> to vector<4096x416xf32>
    %sub3A_89 = arith.subf %add3A_56, %sub3A_88 : vector<4096x416xf32>
    %mul3A_90 = vector.broadcast %get3A_59 : vector<1x416xf32> to vector<4096x416xf32>
    %mul3A_91 = arith.mulf %mul3A_90, %sub3A_89 : vector<4096x416xf32>
    %add3A_92 = arith.constant 9.99999974E-6 : f32
    %add3A_93 = vector.broadcast %add3A_92 : f32 to vector<416xf32>
    %add3A_94 = arith.addf %select_n3A_86, %add3A_93 : vector<416xf32>
    %sqrt3A = math.sqrt %add3A_94 : vector<416xf32>
    %broadcast_in_dim3A_95 = vector.shape_cast %sqrt3A : vector<416xf32> to vector<1x416xf32>
    %div3A_96 = vector.broadcast %broadcast_in_dim3A_95 : vector<1x416xf32> to vector<4096x416xf32>
    %div3A_97 = arith.divf %mul3A_91, %div3A_96 : vector<4096x416xf32>
    %add3A_98 = vector.broadcast %get3A_62 : vector<1x416xf32> to vector<4096x416xf32>
    %add3A_99 = arith.addf %div3A_97, %add3A_98 : vector<4096x416xf32>
    %max3A = arith.constant 0.000000e+00 : f32
    %max3A_100 = vector.broadcast %max3A : f32 to vector<4096x416xf32>
    %max3A_101 = arith.maximumf %add3A_99, %max3A_100 : vector<4096x416xf32>
    %add3A_102 = arith.addf %get3A_4, %max3A_101 : vector<4096x416xf32>
    %get3A_103 = arith.constant 0 : index
    %get3A_104 = arith.constant 0 : index
    %get3A_105 = vector.load %arg9[%get3A_103, %get3A_104] : memref<416x128xf32, #tpu.memory_space<vmem>>, vector<416x128xf32>
    %dot_general3A_106 = arith.constant dense<0.000000e+00> : vector<4096x128xf32>
    %dot_general3A_107 = tpu.matmul %add3A_102, %get3A_105, %dot_general3A_106 {dimension_numbers = #tpu.dot_dimension_numbers<[1], [0], [0], [1], [0, 0, 1, 1], [], []>, precision = #tpu.contract_precision<fp32>, transpose_lhs_hint = false} : vector<4096x416xf32>, vector<416x128xf32>, vector<4096x128xf32> -> vector<4096x128xf32>
    %get3A_108 = arith.constant 0 : index
    %get3A_109 = arith.constant 0 : index
    %get3A_110 = vector.load %arg10[%get3A_108, %get3A_109] : memref<1x128xf32, #tpu.memory_space<vmem>>, vector<1x128xf32>
    %add3A_111 = vector.broadcast %get3A_110 : vector<1x128xf32> to vector<4096x128xf32>
    %add3A_112 = arith.addf %dot_general3A_107, %add3A_111 : vector<4096x128xf32>
    %get3A_113 = arith.constant 0 : index
    %get3A_114 = arith.constant 0 : index
    %get3A_115 = vector.load %arg11[%get3A_113, %get3A_114] : memref<1x128xf32, #tpu.memory_space<vmem>>, vector<1x128xf32>
    %get3A_116 = arith.constant 0 : index
    %get3A_117 = arith.constant 0 : index
    %get3A_118 = vector.load %arg12[%get3A_116, %get3A_117] : memref<1x128xf32, #tpu.memory_space<vmem>>, vector<1x128xf32>
    %reduce_sum3A_119 = arith.constant dense<0.000000e+00> : vector<128xf32>
    %reduce_sum3A_120 = vector.multi_reduction <add>, %add3A_112, %reduce_sum3A_119 [0] : vector<4096x128xf32> to vector<128xf32>
    %div3A_121 = arith.constant 4.096000e+03 : f32
    %div3A_122 = vector.broadcast %div3A_121 : f32 to vector<128xf32>
    %div3A_123 = arith.divf %reduce_sum3A_120, %div3A_122 : vector<128xf32>
    %jit3A_124 = arith.constant 0 : i32
    %reduce_sum3A_125 = arith.constant dense<0.000000e+00> : vector<128xf32>
    %reduce_sum3A_126 = vector.multi_reduction <add>, %add3A_112, %reduce_sum3A_125 [0] : vector<4096x128xf32> to vector<128xf32>
    %broadcast_in_dim3A_127 = vector.shape_cast %reduce_sum3A_126 : vector<128xf32> to vector<1x128xf32>
    %div3A_128 = arith.constant 4.096000e+03 : f32
    %div3A_129 = vector.broadcast %div3A_128 : f32 to vector<1x128xf32>
    %div3A_130 = arith.divf %broadcast_in_dim3A_127, %div3A_129 : vector<1x128xf32>
    %sub3A_131 = vector.broadcast %div3A_130 : vector<1x128xf32> to vector<4096x128xf32>
    %sub3A_132 = arith.subf %add3A_112, %sub3A_131 : vector<4096x128xf32>
    %square3A_133 = arith.mulf %sub3A_132, %sub3A_132 : vector<4096x128xf32>
    %convert_element_type3A_134 = arith.sitofp %jit3A_124 : i32 to f32
    %sub3A_135 = arith.constant 4.096000e+03 : f32
    %sub3A_136 = arith.subf %sub3A_135, %convert_element_type3A_134 : f32
    %reduce_sum3A_137 = arith.constant dense<0.000000e+00> : vector<128xf32>
    %reduce_sum3A_138 = vector.multi_reduction <add>, %square3A_133, %reduce_sum3A_137 [0] : vector<4096x128xf32> to vector<128xf32>
    %div3A_139 = vector.broadcast %sub3A_136 : f32 to vector<128xf32>
    %div3A_140 = arith.divf %reduce_sum3A_138, %div3A_139 : vector<128xf32>
    %gt3A_141 = arith.constant 0.000000e+00 : f32
    %gt3A_142 = arith.cmpf ogt, %sub3A_136, %gt3A_141 : f32
    %jit3A_143 = arith.constant 0x7FC00000 : f32
    %broadcast_in_dim3A_144 = vector.broadcast %jit3A_143 : f32 to vector<128xf32>
    %select_n3A_145 = arith.select %gt3A_142, %div3A_140, %broadcast_in_dim3A_144 : vector<128xf32>
    %broadcast_in_dim3A_146 = vector.shape_cast %div3A_123 : vector<128xf32> to vector<1x128xf32>
    %sub3A_147 = vector.broadcast %broadcast_in_dim3A_146 : vector<1x128xf32> to vector<4096x128xf32>
    %sub3A_148 = arith.subf %add3A_112, %sub3A_147 : vector<4096x128xf32>
    %mul3A_149 = vector.broadcast %get3A_115 : vector<1x128xf32> to vector<4096x128xf32>
    %mul3A_150 = arith.mulf %mul3A_149, %sub3A_148 : vector<4096x128xf32>
    %add3A_151 = arith.constant 9.99999974E-6 : f32
    %add3A_152 = vector.broadcast %add3A_151 : f32 to vector<128xf32>
    %add3A_153 = arith.addf %select_n3A_145, %add3A_152 : vector<128xf32>
    %sqrt3A_154 = math.sqrt %add3A_153 : vector<128xf32>
    %broadcast_in_dim3A_155 = vector.shape_cast %sqrt3A_154 : vector<128xf32> to vector<1x128xf32>
    %div3A_156 = vector.broadcast %broadcast_in_dim3A_155 : vector<1x128xf32> to vector<4096x128xf32>
    %div3A_157 = arith.divf %mul3A_150, %div3A_156 : vector<4096x128xf32>
    %add3A_158 = vector.broadcast %get3A_118 : vector<1x128xf32> to vector<4096x128xf32>
    %add3A_159 = arith.addf %div3A_157, %add3A_158 : vector<4096x128xf32>
    %max3A_160 = arith.constant 0.000000e+00 : f32
    %max3A_161 = vector.broadcast %max3A_160 : f32 to vector<4096x128xf32>
    %max3A_162 = arith.maximumf %add3A_159, %max3A_161 : vector<4096x128xf32>
    %get3A_163 = arith.constant 0 : index
    %get3A_164 = arith.constant 0 : index
    %get3A_165 = vector.load %arg13[%get3A_163, %get3A_164] : memref<128x128xf32, #tpu.memory_space<vmem>>, vector<128x128xf32>
    %dot_general3A_166 = arith.constant dense<0.000000e+00> : vector<4096x128xf32>
    %dot_general3A_167 = tpu.matmul %max3A_162, %get3A_165, %dot_general3A_166 {dimension_numbers = #tpu.dot_dimension_numbers<[1], [0], [0], [1], [0, 0, 1, 1], [], []>, precision = #tpu.contract_precision<fp32>, transpose_lhs_hint = false} : vector<4096x128xf32>, vector<128x128xf32>, vector<4096x128xf32> -> vector<4096x128xf32>
    %get3A_168 = arith.constant 0 : index
    %get3A_169 = arith.constant 0 : index
    %get3A_170 = vector.load %arg14[%get3A_168, %get3A_169] : memref<1x128xf32, #tpu.memory_space<vmem>>, vector<1x128xf32>
    %add3A_171 = vector.broadcast %get3A_170 : vector<1x128xf32> to vector<4096x128xf32>
    %add3A_172 = arith.addf %dot_general3A_167, %add3A_171 : vector<4096x128xf32>
    %get3A_173 = arith.constant 0 : index
    %get3A_174 = arith.constant 0 : index
    %get3A_175 = vector.load %arg15[%get3A_173, %get3A_174] : memref<1x128xf32, #tpu.memory_space<vmem>>, vector<1x128xf32>
    %get3A_176 = arith.constant 0 : index
    %get3A_177 = arith.constant 0 : index
    %get3A_178 = vector.load %arg16[%get3A_176, %get3A_177] : memref<1x128xf32, #tpu.memory_space<vmem>>, vector<1x128xf32>
    %reduce_sum3A_179 = arith.constant dense<0.000000e+00> : vector<128xf32>
    %reduce_sum3A_180 = vector.multi_reduction <add>, %add3A_172, %reduce_sum3A_179 [0] : vector<4096x128xf32> to vector<128xf32>
    %div3A_181 = arith.constant 4.096000e+03 : f32
    %div3A_182 = vector.broadcast %div3A_181 : f32 to vector<128xf32>
    %div3A_183 = arith.divf %reduce_sum3A_180, %div3A_182 : vector<128xf32>
    %jit3A_184 = arith.constant 0 : i32
    %reduce_sum3A_185 = arith.constant dense<0.000000e+00> : vector<128xf32>
    %reduce_sum3A_186 = vector.multi_reduction <add>, %add3A_172, %reduce_sum3A_185 [0] : vector<4096x128xf32> to vector<128xf32>
    %broadcast_in_dim3A_187 = vector.shape_cast %reduce_sum3A_186 : vector<128xf32> to vector<1x128xf32>
    %div3A_188 = arith.constant 4.096000e+03 : f32
    %div3A_189 = vector.broadcast %div3A_188 : f32 to vector<1x128xf32>
    %div3A_190 = arith.divf %broadcast_in_dim3A_187, %div3A_189 : vector<1x128xf32>
    %sub3A_191 = vector.broadcast %div3A_190 : vector<1x128xf32> to vector<4096x128xf32>
    %sub3A_192 = arith.subf %add3A_172, %sub3A_191 : vector<4096x128xf32>
    %square3A_193 = arith.mulf %sub3A_192, %sub3A_192 : vector<4096x128xf32>
    %convert_element_type3A_194 = arith.sitofp %jit3A_184 : i32 to f32
    %sub3A_195 = arith.constant 4.096000e+03 : f32
    %sub3A_196 = arith.subf %sub3A_195, %convert_element_type3A_194 : f32
    %reduce_sum3A_197 = arith.constant dense<0.000000e+00> : vector<128xf32>
    %reduce_sum3A_198 = vector.multi_reduction <add>, %square3A_193, %reduce_sum3A_197 [0] : vector<4096x128xf32> to vector<128xf32>
    %div3A_199 = vector.broadcast %sub3A_196 : f32 to vector<128xf32>
    %div3A_200 = arith.divf %reduce_sum3A_198, %div3A_199 : vector<128xf32>
    %gt3A_201 = arith.constant 0.000000e+00 : f32
    %gt3A_202 = arith.cmpf ogt, %sub3A_196, %gt3A_201 : f32
    %jit3A_203 = arith.constant 0x7FC00000 : f32
    %broadcast_in_dim3A_204 = vector.broadcast %jit3A_203 : f32 to vector<128xf32>
    %select_n3A_205 = arith.select %gt3A_202, %div3A_200, %broadcast_in_dim3A_204 : vector<128xf32>
    %broadcast_in_dim3A_206 = vector.shape_cast %div3A_183 : vector<128xf32> to vector<1x128xf32>
    %sub3A_207 = vector.broadcast %broadcast_in_dim3A_206 : vector<1x128xf32> to vector<4096x128xf32>
    %sub3A_208 = arith.subf %add3A_172, %sub3A_207 : vector<4096x128xf32>
    %mul3A_209 = vector.broadcast %get3A_175 : vector<1x128xf32> to vector<4096x128xf32>
    %mul3A_210 = arith.mulf %mul3A_209, %sub3A_208 : vector<4096x128xf32>
    %add3A_211 = arith.constant 9.99999974E-6 : f32
    %add3A_212 = vector.broadcast %add3A_211 : f32 to vector<128xf32>
    %add3A_213 = arith.addf %select_n3A_205, %add3A_212 : vector<128xf32>
    %sqrt3A_214 = math.sqrt %add3A_213 : vector<128xf32>
    %broadcast_in_dim3A_215 = vector.shape_cast %sqrt3A_214 : vector<128xf32> to vector<1x128xf32>
    %div3A_216 = vector.broadcast %broadcast_in_dim3A_215 : vector<1x128xf32> to vector<4096x128xf32>
    %div3A_217 = arith.divf %mul3A_210, %div3A_216 : vector<4096x128xf32>
    %add3A_218 = vector.broadcast %get3A_178 : vector<1x128xf32> to vector<4096x128xf32>
    %add3A_219 = arith.addf %div3A_217, %add3A_218 : vector<4096x128xf32>
    %max3A_220 = arith.constant 0.000000e+00 : f32
    %max3A_221 = vector.broadcast %max3A_220 : f32 to vector<4096x128xf32>
    %max3A_222 = arith.maximumf %add3A_219, %max3A_221 : vector<4096x128xf32>
    %get3A_223 = arith.constant 0 : index
    %get3A_224 = arith.constant 0 : index
    %get3A_225 = vector.load %arg17[%get3A_223, %get3A_224] : memref<128x1xf32, #tpu.memory_space<vmem>>, vector<128x1xf32>
    %dot_general3A_226 = arith.constant dense<0.000000e+00> : vector<4096x1xf32>
    %dot_general3A_227 = tpu.matmul %max3A_222, %get3A_225, %dot_general3A_226 {dimension_numbers = #tpu.dot_dimension_numbers<[1], [0], [0], [1], [0, 0, 1, 1], [], []>, precision = #tpu.contract_precision<fp32>, transpose_lhs_hint = false} : vector<4096x128xf32>, vector<128x1xf32>, vector<4096x1xf32> -> vector<4096x1xf32>
    %get3A_228 = arith.constant 0 : index
    %get3A_229 = arith.constant 0 : index
    %get3A_230 = vector.load %arg18[%get3A_228, %get3A_229] : memref<1x1xf32, #tpu.memory_space<vmem>>, vector<1x1xf32>
    %add3A_231 = vector.broadcast %get3A_230 : vector<1x1xf32> to vector<4096x1xf32>
    %add3A_232 = arith.addf %dot_general3A_227, %add3A_231 : vector<4096x1xf32>
    %add3A_233 = arith.addf %add3A_17, %mul3A_46 : vector<4096x1xf32>
    %add3A_234 = arith.addf %add3A_233, %add3A_232 : vector<4096x1xf32>
    %logistic3A = arith.negf %add3A_234 : vector<4096x1xf32>
    %logistic3A_235 = math.exp %logistic3A : vector<4096x1xf32>
    %logistic3A_236 = arith.constant 1.000000e+00 : f32
    %logistic3A_237 = vector.broadcast %logistic3A_236 : f32 to vector<4096x1xf32>
    %logistic3A_238 = arith.addf %logistic3A_237, %logistic3A_235 : vector<4096x1xf32>
    %logistic3A_239 = arith.divf %logistic3A_237, %logistic3A_238 : vector<4096x1xf32>
    %swap3A = arith.constant 0 : index
    %swap3A_240 = arith.constant 0 : index
    %swap3A_241 = vector.load %arg19[%swap3A, %swap3A_240] : memref<4096x1xf32, #tpu.memory_space<vmem>>, vector<4096x1xf32>
    tpu.vector_store %arg19[%swap3A, %swap3A_240], %logistic3A_239 {strides = array<i32>} : memref<4096x1xf32, #tpu.memory_space<vmem>>, vector<4096x1xf32>,
    return
  }
}

</mosaic_0001>

<sc_bundles>
// kernel: kernel.4.cloned.1.call-start
scs
__scs_entry_jumppad:
0x0: {  	(pc) =	sbr.rel $0x88, $3  }
0x1: {  	(tag) =	ssettag $0x0;
	lr =	simm.s32 $0x1  }
0x2: {  	[smem:$0x3F8D] =	sst lr;
	_ =	strace $0xD0000000  }
0x3: {  	_ = 	snop  }
0x4: {  	_ = 	snop  }
0x5: {  	_ = 	snop  }
0x6: {  	_ = 	snop  }
0x7: {  	_ = 	snop  }
__scs_overlays_trampoline_lowered:
0x8: {  	[smem:$0x3F9C] =	sst s0  }
0x9: {  	[smem:$0x3F9D] =	sst s1  }
0xa: {  	[smem:$0x3F9E] =	sst s2  }
0xb: {  	[smem:$0x3F9F] =	sst s3  }
0xc: {  	[smem:$0x3FA0] =	sst s4  }
0xd: {  	[smem:$0x3FA1] =	sst s5  }
0xe: {  	[smem:$0x3FA2] =	sst s6  }
0xf: {  	[smem:$0x3FA3] =	sst s7  }
0x10: {  	[smem:$0x3FA4] =	sst s8  }
0x11: {  	[smem:$0x3FA5] =	sst s9;
	s0 =	simm.s32 @!p0 $0x0  }
0x12: {  	s1 =	sld [smem:$0x3F8B];
	s0 =	simm.s32 @p0 $0x1  }
0x13: {  	[smem:$0x3FA6] =	sst s0;
	s0 =	simm.s32 @!p1 $0x0  }
0x14: {  	s2 =	sld [smem:$0x3F8A];
	s0 =	simm.s32 @p1 $0x1  }
0x15: {  	[smem:$0x3FA7] =	sst s0;
	s0 =	simm.s32 @!p2 $0x0  }
0x16: {  	s3 =	sld [smem:$0x3FDB];
	s0 =	simm.s32 @p2 $0x1  }
0x17: {  	s4 =	simm.s32 $0x1BF5;
	[smem:$0x3FA9] =	sst s0  }
0x18: {  	s0 =	sld [smem:$0x3F8C];
	_ =	swait.ge [sflag:s4], $0x0  }
0x19: {  	s7 =	sld [smem:$0x3F8D]  }
0x1a: {  	s8 =	sadd.s32 $0xFFFFE003, lr  }
0x1b: {  	s9 =	sadd.s32 $0xFFFFFEF7, lr;
	s5 =	simm.s32 $0xFFFFFFFF;
	p2 =	slt.u32 s8, $0xFFFFF086  }
0x1c: {  	p1 =	slt.u32 s9, $0xF7A;
	s5 =	simm.s32 @!p2 $0x0  }
0x1d: {  	s5 =	simm.s32 @p1 $0x1;
	p0 =	seq.s32 s7, s2  }
0x1e: {  	s7 =	smul.u32 @!p0 $0xF7A, s2;
	p2 =	seq.s32 @!p0 s5, $0x0  }
0x1f: {  	s9 =	smul.u32 $0xF7A, s1;
	s8 =	simm.s32 @!p0 $0x1BF5;
	p2 =	por !p2, p0  }
0x20: {  	[sflag:s8] =	ssyncset.s32 @!p0 $0xFFFFF086;
	s6 =	sadd.s32 @!p0 s3, s7;
	s7 =	simm.s32 @!p0 $0x108  }
0x21: {  	s3 =	sadd.s32 s3, s9;
	s6 =	sadd.s32 @!p0 $0x88, s6;
	s7 =	simm.s32 @p2 $0x1082  }
0x22: {  	[simem:s7], [sflag:s8] =	dma.local @!p0 [hbm:s6], $0xF7A  }
0x23: {  	s9 =	sor.u32 $0xD0000000, s2;
	s6 =	simm.s32 $0x108;
	_ =	swait.ge @!p0 [sflag:s8], $0x0  }
0x24: {  	s3 =	sadd.s32 $0x88, s3;
	s6 =	simm.s32 @!p1 $0x1082;
	[sflag:s4] =	ssyncset.s32 $0xFFFFF086  }
0x25: {  	[simem:s6], [sflag:s4] =	dma.local [hbm:s3], $0xF7A  }
0x26: {  	[smem:$0x3F8D] =	sst s1;
	(tag) =	ssettag s2;
	_ =	strace s9  }
0x27: {  	s1 =	sld [smem:$0x3F9D]  }
0x28: {  	s2 =	sld [smem:$0x3F9E]  }
0x29: {  	s4 =	sld [smem:$0x3FA0]  }
0x2a: {  	p0 =	seq.s32 s5, $0x0;
	s5 =	sld [smem:$0x3FA1]  }
0x2b: {  	s6 =	sld [smem:$0x3FA2]  }
0x2c: {  	s7 =	sld [smem:$0x3FA3]  }
0x2d: {  	s3 =	simm.s32 $0x108;
	s8 =	sld [smem:$0x3FA4]  }
0x2e: {  	s3 =	simm.s32 @!p0 $0x1082;
	s9 =	sld [smem:$0x3FA5]  }
0x2f: {  	lr =	sadd.s32 s0, s3;
	s0 =	sld [smem:$0x3F9C]  }
0x30: {  	s3 =	sld [smem:$0x3F9F]  }
0x31: {  	[smem:$0x3FA8] =	sst s10  }
0x32: {  	s10 =	sld [smem:$0x3FA6];
	_ =	sdelay $0x3  }
0x33: {  	p0 =	seq.s32 s10, $0x1;
	s10 =	sld [smem:$0x3FA8];
	_ =	sdelay $0x3  }
0x34: {  	[smem:$0x3FA8] =	sst s10  }
0x35: {  	s10 =	sld [smem:$0x3FA7];
	_ =	sdelay $0x3  }
0x36: {  	p1 =	seq.s32 s10, $0x1;
	s10 =	sld [smem:$0x3FA8];
	_ =	sdelay $0x3  }
0x37: {  	[smem:$0x3FA8] =	sst s10  }
0x38: {  	s10 =	sld [smem:$0x3FA9]  }
0x39: {  	_ = 	snop;
	(pc) =	sbr.ind lr, $3  }
0x3a: {  	_ = 	snop  }
0x3b: {  	_ = 	snop  }
0x3c: {  	p2 =	seq.s32 s10, $0x1;
	s10 =	sld [smem:$0x3FA8]  }
0x3d: {  	_ =	shalt  }
0x3e: {  	_ =	shalt  }
0x3f: {  	_ =	shalt  }
0x40: {  	_ =	shalt  }
0x41: {  	_ =	shalt  }
0x42: {  	_ =	shalt  }
0x43: {  	_ =	shalt  }
0x44: {  	_ =	shalt  }
0x45: {  	_ =	shalt  }
0x46: {  	_ =	shalt  }
0x47: {  	_ =	shalt  }
0x48: {  	_ =	shalt  }
0x49: {  	_ =	shalt  }
0x4a: {  	_ =	shalt  }
0x4b: {  	_ =	shalt  }
0x4c: {  	_ =	shalt  }
0x4d: {  	_ =	shalt  }
0x4e: {  	_ =	shalt  }
0x4f: {  	_ =	shalt  }
0x50: {  	_ =	shalt  }
0x51: {  	_ =	shalt  }
0x52: {  	_ =	shalt  }
0x53: {  	_ =	shalt  }
0x54: {  	_ =	shalt  }
0x55: {  	_ =	shalt  }
0x56: {  	_ =	shalt  }
0x57: {  	_ =	shalt  }
0x58: {  	_ =	shalt  }
0x59: {  	_ =	shalt  }
0x5a: {  	_ =	shalt  }
0x5b: {  	_ =	shalt  }
0x5c: {  	_ =	shalt  }
0x5d: {  	_ =	shalt  }
0x5e: {  	_ =	shalt  }
0x5f: {  	_ =	shalt  }
0x60: {  	_ =	shalt  }
0x61: {  	_ =	shalt  }
0x62: {  	_ =	shalt  }
0x63: {  	_ =	shalt  }
0x64: {  	_ =	shalt  }
0x65: {  	_ =	shalt  }
0x66: {  	_ =	shalt  }
0x67: {  	_ =	shalt  }
0x68: {  	_ =	shalt  }
0x69: {  	_ =	shalt  }
0x6a: {  	_ =	shalt  }
0x6b: {  	_ =	shalt  }
0x6c: {  	_ =	shalt  }
0x6d: {  	_ =	shalt  }
0x6e: {  	_ =	shalt  }
0x6f: {  	_ =	shalt  }
0x70: {  	_ =	shalt  }
0x71: {  	_ =	shalt  }
0x72: {  	_ =	shalt  }
0x73: {  	_ =	shalt  }
0x74: {  	_ =	shalt  }
0x75: {  	_ =	shalt  }
0x76: {  	_ =	shalt  }
0x77: {  	_ =	shalt  }
0x78: {  	_ =	shalt  }
0x79: {  	_ =	shalt  }
0x7a: {  	_ =	shalt  }
0x7b: {  	_ =	shalt  }
0x7c: {  	_ =	shalt  }
0x7d: {  	_ =	shalt  }
0x7e: {  	_ =	shalt  }
0x7f: {  	_ =	shalt  }
0x80: {  	_ =	shalt  }
0x81: {  	_ =	shalt  }
0x82: {  	_ =	shalt  }
0x83: {  	_ =	shalt  }
0x84: {  	_ =	shalt  }
0x85: {  	_ =	shalt  }
0x86: {  	_ =	shalt  }
0x87: {  	_ =	shalt  }
.Lfunc_end0:
.L_simem_size_0:
called_computation_lowered:
.L_overlay_start_0:
0x88: {  	s2 =	sld [smem:$0x3FD9]  }
0x89: {  	s3 =	sld [smem:$0x3FFE];
	_ =	sdelay $0x1  }
0x8a: {  	s1 =	srdreg.scid  }
0x8b: {  	s0 =	sand.u32 $0x1, s1  }
0x8c: {  	s16 =	sshll.u32 s0, $0xA;
	s2 =	sadd.s32 s3, s2  }
0x8d: {  	s2 =	sadd.s32 s2, s16  }
0x8e: {  	[smem:$0x3FB4] =	sst s2  }
0x8f: {  	_ = 	snop  }
0x90: {  	(tm) =	ssettm $0x1  }
0x91: {  	s17 =	sld [smem:$0x3FFB];
	_ =	sdelay $0x3  }
0x92: {  	_ =	strace s17  }
0x93: {  	s2 =	sld [smem:$0x3FFC];
	_ =	sdelay $0x3  }
0x94: {  	_ =	strace s2  }
0x95: {  	s2 =	sld [smem:$0x3FFD];
	_ =	sdelay $0x3  }
0x96: {  	_ =	strace s2  }
0x97: {  	_ =	strace $0x8FFFFFFF  }
0x98: {  	s18 =	sld [smem:$0x3FDB];
	_ =	sdelay $0x1  }
0x99: {  	s19 =	simm.s32 $_scs_section_size  }
0x9a: {  	s4 =	simm.s32 $_size__tile_overlayer_lowered;
	s5 =	simm.s32 $_tile_overlayer_lowered  }
0x9b: {  	s22 =	simm.s32 $0x1BFF;
	s21 =	sshll.u32 s5, $0x1;
	s2 =	sadd.s32 s19, s18  }
0x9c: {  	s6 =	simm.s32 $0x0;
	s20 =	sshll.u32 s4, $0x1;
	s4 =	sadd.s32 s21, s2  }
0x9d: {  	[timem:s6], [sflag:s22] =	dma.local [hbm:s4], s20  }
0x9e: {  	_ =	swait.ge [sflag:s22], s20  }
0x9f: {  	s3 =	ssub.s32 $0x0, s20;
	[sflag:s22] =	ssyncset.done $0x0  }
0xa0: {  	[sflag:s22] =	ssyncadd.s32 s3;
	_ =	sdelay $0x1  }
0xa1: {  	s23 =	simm.s32 $0x1B8B  }
0xa2: {  	_ =	swait.ge [sflag:s23], $0x1  }
0xa3: {  	[sflag:s23] =	ssyncset.done $0x0  }
0xa4: {  	s25 =	simm.s32 $0x1B8E;
	s24 =	sld [smem:$0x3FFE];
	[sflag:s23] =	ssyncadd.s32 $0xFFFFFFFF  }
0xa5: {  	s26 =	simm.s32 $execute0_lowered;
	[smem:$0x3FD2] =	sst s25  }
0xa6: {  	s4 =	sshll.u32 s26, $0x1;
	_ =	strace $0x80000046;
	[dreg:$0x1] =	wrdreg $0xFFFFFFFF  }
0xa7: {  	s28 =	simm.s32 $_size_execute0_lowered;
	s2 =	sadd.s32 s2, s4;
	[dreg:$0x0] =	wrdreg $0x0  }
0xa8: {  	s4 =	sshll.u32 s28, $0x1;
	[dreg:$0x2] =	wrdreg s2  }
0xa9: {  	[dreg:$0x3] =	wrdreg s4  }
0xaa: {  	[dreg:$0x4] =	wrdreg $0xC0  }
0xab: {  	_ =	task [dreg:s6], $0x5FFFF  }
0xac: {  	[dreg:$0x1] =	wrdreg $0xFFFFFFFF  }
0xad: {  	[dreg:$0x0] =	wrdreg $0x60  }
0xae: {  	[dreg:$0x2] =	wrdreg s24  }
0xaf: {  	[dreg:$0x3] =	wrdreg $0x9  }
0xb0: {  	_ =	task.clear_ibuf [dreg:s6], $0x4FFFF;
	_ =	strace $0x90000046  }
0xb1: {  	s29 =	simm.s32 $0x9;
	_ =	strace $0x80000048  }
0xb2: {  	_ =	swait.ge [sflag:s29], $0x1  }
0xb3: {  	[sflag:s29] =	ssyncadd.s32 $0xFFFFFFFF  }
0xb4: {  	_ =	strace $0x90000048  }
0xb5: {  	_ =	sfence  }
0xb6: {  	s30 =	sld [smem:$0x0];
	_ =	sdelay $0x2  }
0xb7: {  	s31 =	sshll.u32 s1, $0xD;
	s1 =	sshrl.u32 s1, $0x2  }
0xb8: {  	s3 =	sand.u32 $0x4000, s31;
	s1 =	sadd.s32 s1, s30  }
0xb9: {  	s0 =	sor.u32 s3, s0;
	s1 =	sshll.u32 s1, $0x11  }
0xba: {  	s0 =	sor.u32 s1, s0  }
0xbb: {  	s0 =	sadd.s32 $0x8F2B, s0  }
0xbc: {  	[sflag:s0] =	ssyncadd.remote.s32 $0x1  }
0xbd: {  	_ =	sfence.sel $0xFFFF  }
0xbe: {  	[dreg:$0x0] =	wrdreg $0xFFFFFFFF;
	(pc) =	sbr.abs _section_cstart, $3  }
0xbf: {  	[dreg:$0x1] =	wrdreg $0xFFFFFFFF  }
0xc0: {  	_ =	task.clear_ibuf [dreg:s6], $0x2FFFF;
	_ =	strace $0x9FFFFFFF  }
0xc1: {  	(tm) =	ssettm $0x7FFFFFFF  }
tec
execute0_lowered:
.L_overlay_start_1:
0x0: {  	(tag) =	ssettag $0x1  }
0x1: {  	s0 =	srdreg.scid;
	s2 =	stileid.u32  }
0x2: {  	s0 =	sand.u32 $0x1, s0;
	s3 =	sshll.u32 s2, $0x1  }
0x3: {  	s1 =	rddreg [dreg:$0x0];
	s3 =	sor.u32 s0, s3  }
0x4: {  	s2 =	simm.s32 $0x0;
	s0 =	ssub.s32 $0x2, s0;
	s5 =	smul.u32 $0x1A00, s3  }
0x5: {  	s4 =	sadd.s32 $0x2A00, s1;
	s6 =	smul.u32 $0x1A0, s3;
	s30 =	sshrl.u32 s0, $0x1  }
0x6: {  	[smem:$0x7FF] =	sst s2;
	s3 =	sadd.s32 $0x27AEE00, s1;
	s0 =	ssub.s32 s0, s30  }
0x7: {  	s5 =	sadd.s32 s5, s1;
	s1 =	sadd.s32 s6, s1;
	s0 =	smax.u32 s0, $0x1  }
0x8: {  	_ =	strace $0x80000047;
	s31 =	sadd.s32 $0x52000, s1;
	[dreg:$0xd] =	wrdreg s0  }
0x9: {  	s5 =	sadd.s32 $0x55400, s5;
	[dreg:$0xa] =	wrdreg s31  }
0xa: {  	v0 =	vlaneseq.u32;
	s9 =	simm.s32 $0xD00;
	s1 =	sadd.s32 $0x89400, s1;
	[dreg:$0xb] =	wrdreg s5  }
0xb: {  	v0 =	vmul.u32 $0x8, v0;
	[dreg:$0xc] =	wrdreg s1;
	s1 =	simm.s32 $0x3;
	s5 =	simm.s32 $0x0  }
.LBB2_1:
0xc: {  	[dreg:$0xe] =	wrdreg s5  }
0xd: {  	s0 =	rddreg [dreg:$0xa]  }
0xe: {  	[tilespmem:s2], [sflag:$0x3] =	stream.linear.gather [hbm4b:s0+s2], $0xD00, $0x38;
	[tilespmem:$0x15200] =	vst v63  }
0xf: {  	_ =	swait.ge [sflag:s1], $0xD00  }
0x10: {  	[sflag:s1] =	ssyncset.done $0x0  }
0x11: {  	[sflag:s1] =	ssyncadd.s32 $0xFFFFF300  }
0x12: {  	v1 =	vld [tilespmem:s2+$0x0];
	_ =	sdelay $0x4  }
0x13: {  	(v2sf) =	vpush v1, $0x1  }
0x14: {  	(v2sf) =	vpush v1, $0x0;
	_ =	sdelay $0x2  }
0x15: {  	(v2sf) =	vpush v1, $0x2;
	_ =	sdelay $0x2  }
0x16: {  	(v2sf) =	vpush v1, $0x3;
	_ =	sdelay $0x5  }
0x17: {  	s28 =	simm.s32 $0x200;
	s14 =	simm.s32 $0xDF0  }
0x18: {  	s7 =	simm.s32 $0xD10;
	s20 =	simm.s32 $0xDD00;
	s23 =	simm.s32 $0xDD08  }
0x19: {  	s25 =	simm.s32 $0xD20;
	s11 =	simm.s32 $0xD40;
	s18 =	spop (v2sf)  }
0x1a: {  	s15 =	simm.s32 $0xDD18;
	s0 =	simm.s32 $0xDB0;
	s19 =	spop (v2sf)  }
0x1b: {  	(v2sf) =	vpush v1, $0x4;
	s8 =	sshll.u32 s18, $0x1;
	s1 =	sshrl.u32 s18, $0x3;
	s18 =	simm.s32 $0xDD20  }
0x1c: {  	s6 =	sshll.u32 s19, $0x1;
	s5 =	sshrl.u32 s19, $0x3;
	s8 =	sand.u32 $0x1FFFFFFE, s8  }
0x1d: {  	(v2sf) =	vpush v1, $0x5;
	s21 =	spop (v2sf);
	s1 =	sadd.s32 s4, s1;
	s6 =	sand.u32 $0x1FFFFFFE, s6  }
0x1e: {  	s19 =	simm.s32 $0xD50;
	s5 =	sadd.s32 s4, s5;
	s6 =	sadd.s32 s3, s6  }
0x1f: {  	[tilespmem:s9], [sflag:$0x1] =	stream.linear.gather [hbm4b:s6+s2], $0x10, $0x38;
	[tilespmem:$0x15200] =	vst v63  }
0x20: {  	(v2sf) =	vpush v1, $0x6;
	s22 =	sadd.s32 s3, s8;
	s24 =	sshll.u32 s21, $0x1;
	s29 =	spop (v2sf)  }
0x21: {  	[tilespmem:s20], [sflag:$0x2] =	stream.linear.gather [hbm4b:s5+s2], $0x8, $0x38;
	[tilespmem:$0x15200] =	vst v63  }
0x22: {  	s8 =	simm.s32 $0xDD10;
	(v2sf) =	vpush v1, $0x7;
	s26 =	sand.u32 $0x1FFFFFFE, s24;
	s30 =	sshll.u32 s29, $0x1  }
0x23: {  	[tilespmem:s7], [sflag:$0x1] =	stream.linear.gather [hbm4b:s22+s2], $0x10, $0x38;
	[tilespmem:$0x15200] =	vst v63  }
0x24: {  	s12 =	sshrl.u32 s29, $0x3;
	s24 =	simm.s32 $0xD60;
	s6 =	sadd.s32 s3, s26  }
0x25: {  	[tilespmem:s23], [sflag:$0x2] =	stream.linear.gather [hbm4b:s1+s2], $0x8, $0x38;
	[tilespmem:$0x15200] =	vst v63  }
0x26: {  	s31 =	sand.u32 $0x1FFFFFFE, s30;
	s9 =	simm.s32 $0xD30;
	s5 =	sshrl.u32 s21, $0x3  }
0x27: {  	[tilespmem:s25], [sflag:$0x1] =	stream.linear.gather [hbm4b:s6+s2], $0x10, $0x38;
	[tilespmem:$0x15200] =	vst v63  }
0x28: {  	s26 =	simm.s32 $0xD70;
	s5 =	sadd.s32 s4, s5;
	s1 =	sadd.s32 s3, s31  }
0x29: {  	[tilespmem:s8], [sflag:$0x2] =	stream.linear.gather [hbm4b:s5+s2], $0x8, $0x38;
	[tilespmem:$0x15200] =	vst v63  }
0x2a: {  	s23 =	simm.s32 $0xDD28;
	s31 =	simm.s32 $0xDD30;
	s10 =	spop (v2sf)  }
0x2b: {  	s5 =	sadd.s32 s4, s12;
	s12 =	simm.s32 $0xD80;
	s13 =	sshll.u32 s10, $0x1  }
0x2c: {  	(v2sf) =	vpush v1, $0x8;
	s16 =	spop (v2sf);
	s6 =	sshrl.u32 s10, $0x3;
	s10 =	simm.s32 $0xDD38  }
0x2d: {  	[tilespmem:s9], [sflag:$0x1] =	stream.linear.gather [hbm4b:s1+s2], $0x10, $0x38;
	[tilespmem:$0x15200] =	vst v63  }
0x2e: {  	s7 =	sand.u32 $0x1FFFFFFE, s13;
	s17 =	sshll.u32 s16, $0x1;
	s6 =	sadd.s32 s4, s6  }
0x2f: {  	(v2sf) =	vpush v1, $0x9;
	s20 =	spop (v2sf);
	s7 =	sadd.s32 s3, s7;
	s1 =	sand.u32 $0x1FFFFFFE, s17  }
0x30: {  	[tilespmem:s15], [sflag:$0x2] =	stream.linear.gather [hbm4b:s5+s2], $0x8, $0x38;
	[tilespmem:$0x15200] =	vst v63  }
0x31: {  	s21 =	sshll.u32 s20, $0x1;
	s25 =	spop (v2sf);
	s29 =	sshrl.u32 s20, $0x3  }
0x32: {  	[tilespmem:s11], [sflag:$0x1] =	stream.linear.gather [hbm4b:s7+s2], $0x10, $0x38;
	[tilespmem:$0x15200] =	vst v63  }
0x33: {  	(v2sf) =	vpush v1, $0xA;
	s17 =	simm.s32 $0xDD40;
	s20 =	simm.s32 $0xD90;
	s5 =	sshrl.u32 s16, $0x3  }
0x34: {  	[tilespmem:s18], [sflag:$0x2] =	stream.linear.gather [hbm4b:s6+s2], $0x8, $0x38;
	[tilespmem:$0x15200] =	vst v63  }
0x35: {  	(v2sf) =	vpush v1, $0xB;
	s1 =	sadd.s32 s3, s1;
	s22 =	sand.u32 $0x1FFFFFFE, s21;
	s30 =	sshll.u32 s25, $0x1  }
0x36: {  	[tilespmem:s19], [sflag:$0x1] =	stream.linear.gather [hbm4b:s1+s2], $0x10, $0x38;
	[tilespmem:$0x15200] =	vst v63  }
0x37: {  	s8 =	sshrl.u32 s25, $0x3;
	s5 =	sadd.s32 s4, s5;
	s7 =	sand.u32 $0x1FFFFFFE, s30  }
0x38: {  	[tilespmem:s23], [sflag:$0x2] =	stream.linear.gather [hbm4b:s5+s2], $0x8, $0x38;
	[tilespmem:$0x15200] =	vst v63  }
0x39: {  	s25 =	simm.s32 $0xDD48;
	s7 =	sadd.s32 s3, s7;
	s1 =	sadd.s32 s3, s22  }
0x3a: {  	[tilespmem:s24], [sflag:$0x1] =	stream.linear.gather [hbm4b:s1+s2], $0x10, $0x38;
	[tilespmem:$0x15200] =	vst v63  }
0x3b: {  	s22 =	simm.s32 $0xDA0;
	s5 =	sadd.s32 s4, s29;
	s9 =	spop (v2sf)  }
0x3c: {  	[tilespmem:s31], [sflag:$0x2] =	stream.linear.gather [hbm4b:s5+s2], $0x8, $0x38;
	[tilespmem:$0x15200] =	vst v63  }
0x3d: {  	s29 =	simm.s32 $0xDD50;
	(v2sf) =	vpush v1, $0xC;
	s5 =	sadd.s32 s4, s8;
	s11 =	sshll.u32 s9, $0x1  }
0x3e: {  	s15 =	spop (v2sf);
	s6 =	sshrl.u32 s9, $0x3;
	s31 =	simm.s32 $0xDC0  }
0x3f: {  	[tilespmem:s26], [sflag:$0x1] =	stream.linear.gather [hbm4b:s7+s2], $0x10, $0x38;
	[tilespmem:$0x15200] =	vst v63  }
0x40: {  	(v2sf) =	vpush v1, $0xD;
	s13 =	sand.u32 $0x1FFFFFFE, s11;
	s16 =	sshll.u32 s15, $0x1;
	s18 =	sadd.s32 s4, s6  }
0x41: {  	[tilespmem:s10], [sflag:$0x2] =	stream.linear.gather [hbm4b:s5+s2], $0x8, $0x38;
	[tilespmem:$0x15200] =	vst v63  }
0x42: {  	s21 =	spop (v2sf);
	s23 =	sshrl.u32 s15, $0x3;
	s5 =	sadd.s32 s3, s13  }
0x43: {  	[tilespmem:s12], [sflag:$0x1] =	stream.linear.gather [hbm4b:s5+s2], $0x10, $0x38;
	[tilespmem:$0x15200] =	vst v63  }
0x44: {  	(v2sf) =	vpush v1, $0xE;
	s19 =	sand.u32 $0x1FFFFFFE, s16;
	s24 =	sshll.u32 s21, $0x1;
	s26 =	spop (v2sf)  }
0x45: {  	[tilespmem:s17], [sflag:$0x2] =	stream.linear.gather [hbm4b:s18+s2], $0x8, $0x38;
	[tilespmem:$0x15200] =	vst v63  }
0x46: {  	s16 =	simm.s32 $0xDD0;
	s6 =	sadd.s32 s3, s19;
	s7 =	sand.u32 $0x1FFFFFFE, s24  }
0x47: {  	[tilespmem:s20], [sflag:$0x1] =	stream.linear.gather [hbm4b:s6+s2], $0x10, $0x38;
	[tilespmem:$0x15200] =	vst v63  }
0x48: {  	s30 =	sshll.u32 s26, $0x1;
	s7 =	sadd.s32 s3, s7;
	s6 =	sadd.s32 s4, s23  }
0x49: {  	[tilespmem:s25], [sflag:$0x2] =	stream.linear.gather [hbm4b:s6+s2], $0x8, $0x38;
	[tilespmem:$0x15200] =	vst v63  }
0x4a: {  	s9 =	sand.u32 $0x1FFFFFFE, s30;
	s5 =	sshrl.u32 s21, $0x3;
	s12 =	simm.s32 $0xDD58  }
0x4b: {  	[tilespmem:s22], [sflag:$0x1] =	stream.linear.gather [hbm4b:s7+s2], $0x10, $0x38;
	[tilespmem:$0x15200] =	vst v63  }
0x4c: {  	s5 =	sadd.s32 s4, s5;
	s6 =	sshrl.u32 s26, $0x3;
	s10 =	spop (v2sf);
	(v2sf) =	vpush v1, $0xF  }
0x4d: {  	s18 =	simm.s32 $0xDD60;
	s25 =	simm.s32 $0xDD68;
	s13 =	sadd.s32 s4, s6  }
0x4e: {  	[tilespmem:s29], [sflag:$0x2] =	stream.linear.gather [hbm4b:s5+s2], $0x8, $0x38;
	[tilespmem:$0x15200] =	vst v63  }
0x4f: {  	s11 =	sshll.u32 s10, $0x1;
	s17 =	spop (v2sf);
	s5 =	sadd.s32 s3, s9  }
0x50: {  	[tilespmem:s0], [sflag:$0x1] =	stream.linear.gather [hbm4b:s5+s2], $0x10, $0x38;
	[tilespmem:$0x15200] =	vst v63  }
0x51: {  	s19 =	sshrl.u32 s10, $0x3;
	s15 =	sand.u32 $0x1FFFFFFE, s11;
	s20 =	sshll.u32 s17, $0x1  }
0x52: {  	[tilespmem:s12], [sflag:$0x2] =	stream.linear.gather [hbm4b:s13+s2], $0x8, $0x38;
	[tilespmem:$0x15200] =	vst v63  }
0x53: {  	s21 =	spop (v2sf);
	s22 =	sshrl.u32 s17, $0x3;
	s6 =	sadd.s32 s3, s15  }
0x54: {  	[tilespmem:s31], [sflag:$0x1] =	stream.linear.gather [hbm4b:s6+s2], $0x10, $0x38;
	[tilespmem:$0x15200] =	vst v63  }
0x55: {  	s7 =	sand.u32 $0x1FFFFFFE, s20;
	s24 =	sshll.u32 s21, $0x1;
	s6 =	sadd.s32 s4, s19  }
0x56: {  	[tilespmem:s18], [sflag:$0x2] =	stream.linear.gather [hbm4b:s6+s2], $0x8, $0x38;
	[tilespmem:$0x15200] =	vst v63  }
0x57: {  	s29 =	simm.s32 $0xDE0;
	s23 =	sadd.s32 s3, s7;
	s26 =	sand.u32 $0x1FFFFFFE, s24  }
0x58: {  	[tilespmem:s16], [sflag:$0x1] =	stream.linear.gather [hbm4b:s23+s2], $0x10, $0x38;
	[tilespmem:$0x15200] =	vst v63  }
0x59: {  	s1 =	sadd.s32 s4, s22;
	s20 =	simm.s32 $0x0;
	s30 =	sadd.s32 s3, s26  }
0x5a: {  	[tilespmem:s25], [sflag:$0x2] =	stream.linear.gather [hbm4b:s1+s2], $0x8, $0x38;
	[tilespmem:$0x15200] =	vst v63  }
0x5b: {  	s19 =	simm.s32 $0x10;
	s31 =	sshrl.u32 s21, $0x3;
	s0 =	spop (v2sf)  }
0x5c: {  	[tilespmem:s29], [sflag:$0x1] =	stream.linear.gather [hbm4b:s30+s2], $0x10, $0x38;
	[tilespmem:$0x15200] =	vst v63  }
0x5d: {  	s18 =	simm.s32 $0xE00;
	s1 =	sadd.s32 s4, s31;
	s5 =	sshll.u32 s0, $0x1  }
.LBB2_2:
0x5e: {  	s6 =	sadd.s32 $0xDD70, s20;
	s5 =	sand.u32 $0x1FFFFFFE, s5  }
0x5f: {  	[tilespmem:s6], [sflag:$0x2] =	stream.linear.gather [hbm4b:s1+s2], $0x8, $0x38;
	[tilespmem:$0x15200] =	vst v63  }
0x60: {  	s0 =	sshrl.u32 s0, $0x3;
	s17 =	sadd.s32 s3, s5  }
0x61: {  	[tilespmem:s14], [sflag:$0x1] =	stream.linear.gather [hbm4b:s17+s2], $0x10, $0x38;
	[tilespmem:$0x15200] =	vst v63  }
0x62: {  	s21 =	sadd.s32 $0xDD78, s20;
	s0 =	sadd.s32 s4, s0  }
0x63: {  	[tilespmem:s21], [sflag:$0x2] =	stream.linear.gather [hbm4b:s0+s2], $0x8, $0x38;
	[tilespmem:$0x15200] =	vst v63  }
0x64: {  	v1 =	vld [tilespmem:s19+$0x0];
	_ =	sdelay $0x4  }
0x65: {  	(v2sf) =	vpush v1, $0x1  }
0x66: {  	(v2sf) =	vpush v1, $0x0  }
0x67: {  	p0 =	sne.s32 s28, $0x19E00  }
0x68: {  	s22 =	smov.u32 s28;
	s28 =	sadd.s32 $0x200, s28;
	s11 =	smov.u32 s18;
	(v2sf) =	vpush v1, $0x2  }
0x69: {  	s23 =	sadd.s32 $0xE0, s11;
	s24 =	sadd.s32 $0xB0, s11;
	s25 =	sadd.s32 $0xC0, s11  }
0x6a: {  	s26 =	sadd.s32 $0xD0, s11;
	s15 =	sadd.s32 $0x10, s11;
	[dreg:$0x2] =	wrdreg s23  }
0x6b: {  	s31 =	sadd.s32 $0x90, s11;
	s29 =	sadd.s32 $0xA0, s11;
	[dreg:$0x6] =	wrdreg s24;
	(v2sf) =	vpush v1, $0x3  }
0x6c: {  	s8 =	sadd.s32 $0x40, s11;
	s5 =	sadd.s32 $0x70, s11;
	[dreg:$0x4] =	wrdreg s25  }
0x6d: {  	s20 =	sshra.s32 s22, $0x2;
	s7 =	sadd.s32 $0x50, s11;
	[dreg:$0x3] =	wrdreg s26  }
0x6e: {  	s13 =	sadd.s32 $0x60, s11;
	s9 =	sadd.s32 $0x30, s11;
	[dreg:$0x8] =	wrdreg s29  }
0x6f: {  	s25 =	sadd.s32 $0x80, s11;
	s12 =	sadd.s32 $0xDD08, s20;
	s1 =	sadd.s32 $0xDD40, s20;
	(v2sf) =	vpush v1, $0x4  }
0x70: {  	s30 =	sadd.s32 $0xDD50, s20;
	s29 =	sadd.s32 $0xDD48, s20;
	s6 =	sadd.s32 $0xDD68, s20;
	(v2sf) =	vpush v1, $0x5  }
0x71: {  	s10 =	sadd.s32 $0xDD60, s20;
	s14 =	sadd.s32 $0xF0, s18;
	[dreg:$0x9] =	wrdreg s30  }
0x72: {  	s18 =	sadd.s32 $0x100, s18;
	[dreg:$0x5] =	wrdreg s6;
	s17 =	sadd.s32 $0x20, s11  }
0x73: {  	s6 =	sadd.s32 $0xDD38, s20;
	[dreg:$0x7] =	wrdreg s10;
	s30 =	sadd.s32 $0xDD58, s20  }
0x74: {  	s21 =	sadd.s32 $0xDD00, s20;
	s19 =	sadd.s32 $0x10, s19;
	s10 =	spop (v2sf)  }
0x75: {  	s22 =	sshll.u32 s10, $0x1;
	s23 =	sshrl.u32 s10, $0x3;
	s16 =	spop (v2sf)  }
0x76: {  	s10 =	sadd.s32 $0xDD30, s20;
	s24 =	sshll.u32 s16, $0x1;
	s0 =	sshrl.u32 s16, $0x3  }
0x77: {  	s22 =	sand.u32 $0x1FFFFFFE, s22;
	s16 =	spop (v2sf);
	s24 =	sand.u32 $0x1FFFFFFE, s24  }
0x78: {  	(v2sf) =	vpush v1, $0x6;
	s26 =	sshll.u32 s16, $0x1;
	s16 =	sshrl.u32 s16, $0x3;
	s24 =	sadd.s32 s3, s24  }
0x79: {  	[tilespmem:s11], [sflag:$0x1] =	stream.linear.gather [hbm4b:s24+s2], $0x10, $0x38;
	[tilespmem:$0x15200] =	vst v63  }
0x7a: {  	s0 =	sadd.s32 s4, s0;
	s16 =	sadd.s32 s4, s16;
	s24 =	spop (v2sf)  }
0x7b: {  	[tilespmem:s21], [sflag:$0x2] =	stream.linear.gather [hbm4b:s0+s2], $0x8, $0x38;
	[tilespmem:$0x15200] =	vst v63  }
0x7c: {  	s11 =	sand.u32 $0x1FFFFFFE, s26;
	s26 =	sadd.s32 s3, s22;
	s21 =	sshll.u32 s24, $0x1  }
0x7d: {  	[tilespmem:s15], [sflag:$0x1] =	stream.linear.gather [hbm4b:s26+s2], $0x10, $0x38;
	[tilespmem:$0x15200] =	vst v63  }
0x7e: {  	s22 =	sshrl.u32 s24, $0x3;
	s15 =	sand.u32 $0x1FFFFFFE, s21;
	s21 =	spop (v2sf);
	(v2sf) =	vpush v1, $0x7  }
0x7f: {  	s26 =	sadd.s32 s4, s23;
	s23 =	sshll.u32 s21, $0x1;
	s24 =	spop (v2sf)  }
0x80: {  	(v2sf) =	vpush v1, $0x8;
	[tilespmem:s12], [sflag:$0x2] =	stream.linear.gather [hbm4b:s26+s2], $0x8, $0x38;
	[tilespmem:$0x15200] =	vst v63  }
0x81: {  	s22 =	sadd.s32 s4, s22;
	s12 =	sadd.s32 s3, s11;
	s11 =	sand.u32 $0x1FFFFFFE, s23  }
0x82: {  	[tilespmem:s17], [sflag:$0x1] =	stream.linear.gather [hbm4b:s12+s2], $0x10, $0x38;
	[tilespmem:$0x15200] =	vst v63  }
0x83: {  	s15 =	sadd.s32 s3, s15;
	s26 =	sadd.s32 $0xDD10, s20;
	(v2sf) =	vpush v1, $0x9;
	s23 =	sadd.s32 s3, s11  }
0x84: {  	[tilespmem:s26], [sflag:$0x2] =	stream.linear.gather [hbm4b:s16+s2], $0x8, $0x38;
	[tilespmem:$0x15200] =	vst v63  }
0x85: {  	s12 =	sshrl.u32 s24, $0x3;
	s17 =	sadd.s32 $0xDD18, s20;
	s16 =	sshll.u32 s24, $0x1  }
0x86: {  	[tilespmem:s9], [sflag:$0x1] =	stream.linear.gather [hbm4b:s15+s2], $0x10, $0x38;
	[tilespmem:$0x15200] =	vst v63  }
0x87: {  	s24 =	sshrl.u32 s21, $0x3;
	s15 =	sand.u32 $0x1FFFFFFE, s16;
	s26 =	spop (v2sf)  }
0x88: {  	[tilespmem:s17], [sflag:$0x2] =	stream.linear.gather [hbm4b:s22+s2], $0x8, $0x38;
	[tilespmem:$0x15200] =	vst v63  }
0x89: {  	s9 =	sadd.s32 s4, s24;
	(v2sf) =	vpush v1, $0xA;
	s24 =	sadd.s32 s4, s12;
	s16 =	sshll.u32 s26, $0x1  }
0x8a: {  	[tilespmem:s8], [sflag:$0x1] =	stream.linear.gather [hbm4b:s23+s2], $0x10, $0x38;
	[tilespmem:$0x15200] =	vst v63  }
0x8b: {  	s17 =	sadd.s32 s3, s15;
	s22 =	sshrl.u32 s26, $0x3;
	s8 =	sadd.s32 $0xDD20, s20  }
0x8c: {  	[tilespmem:s8], [sflag:$0x2] =	stream.linear.gather [hbm4b:s9+s2], $0x8, $0x38;
	[tilespmem:$0x15200] =	vst v63  }
0x8d: {  	s21 =	sand.u32 $0x1FFFFFFE, s16;
	s15 =	sadd.s32 s4, s22;
	s26 =	spop (v2sf)  }
0x8e: {  	[tilespmem:s7], [sflag:$0x1] =	stream.linear.gather [hbm4b:s17+s2], $0x10, $0x38;
	[tilespmem:$0x15200] =	vst v63  }
0x8f: {  	s23 =	sadd.s32 $0xDD28, s20;
	(v2sf) =	vpush v1, $0xB;
	s7 =	sadd.s32 s3, s21;
	s16 =	spop (v2sf)  }
0x90: {  	s8 =	sshll.u32 s26, $0x1;
	s12 =	sshrl.u32 s26, $0x3;
	s22 =	sshll.u32 s16, $0x1  }
0x91: {  	[tilespmem:s23], [sflag:$0x2] =	stream.linear.gather [hbm4b:s24+s2], $0x8, $0x38;
	[tilespmem:$0x15200] =	vst v63  }
0x92: {  	s21 =	sadd.s32 s4, s12;
	s26 =	spop (v2sf);
	s23 =	sand.u32 $0x1FFFFFFE, s22  }
0x93: {  	(v2sf) =	vpush v1, $0xC;
	[tilespmem:s13], [sflag:$0x1] =	stream.linear.gather [hbm4b:s7+s2], $0x10, $0x38;
	[tilespmem:$0x15200] =	vst v63  }
0x94: {  	s24 =	sshrl.u32 s16, $0x3;
	s0 =	sadd.s32 s3, s23;
	s7 =	sand.u32 $0x1FFFFFFE, s8  }
0x95: {  	[tilespmem:s10], [sflag:$0x2] =	stream.linear.gather [hbm4b:s15+s2], $0x8, $0x38;
	[tilespmem:$0x15200] =	vst v63  }
0x96: {  	s23 =	rddreg [dreg:$0x8];
	s17 =	sadd.s32 s3, s7;
	s7 =	sshll.u32 s26, $0x1  }
0x97: {  	(v2sf) =	vpush v1, $0xD;
	[tilespmem:s5], [sflag:$0x1] =	stream.linear.gather [hbm4b:s17+s2], $0x10, $0x38;
	[tilespmem:$0x15200] =	vst v63  }
0x98: {  	s9 =	sand.u32 $0x1FFFFFFE, s7;
	s10 =	sshrl.u32 s26, $0x3;
	s11 =	spop (v2sf)  }
0x99: {  	[tilespmem:s6], [sflag:$0x2] =	stream.linear.gather [hbm4b:s21+s2], $0x8, $0x38;
	[tilespmem:$0x15200] =	vst v63  }
0x9a: {  	s12 =	sadd.s32 s4, s10;
	s13 =	sshll.u32 s11, $0x1;
	s16 =	sshrl.u32 s11, $0x3  }
0x9b: {  	[tilespmem:s25], [sflag:$0x1] =	stream.linear.gather [hbm4b:s0+s2], $0x10, $0x38;
	[tilespmem:$0x15200] =	vst v63  }
0x9c: {  	s5 =	sadd.s32 s4, s24;
	s15 =	sand.u32 $0x1FFFFFFE, s13;
	s21 =	sadd.s32 s4, s16  }
0x9d: {  	(v2sf) =	vpush v1, $0xE;
	[tilespmem:s1], [sflag:$0x2] =	stream.linear.gather [hbm4b:s5+s2], $0x8, $0x38;
	[tilespmem:$0x15200] =	vst v63  }
0x9e: {  	s16 =	rddreg [dreg:$0x4];
	s0 =	sadd.s32 s3, s9;
	s17 =	spop (v2sf)  }
0x9f: {  	[tilespmem:s31], [sflag:$0x1] =	stream.linear.gather [hbm4b:s0+s2], $0x10, $0x38;
	[tilespmem:$0x15200] =	vst v63  }
0xa0: {  	s9 =	rddreg [dreg:$0x6];
	s22 =	sshll.u32 s17, $0x1;
	s25 =	sshrl.u32 s17, $0x3  }
0xa1: {  	[tilespmem:s29], [sflag:$0x2] =	stream.linear.gather [hbm4b:s12+s2], $0x8, $0x38;
	[tilespmem:$0x15200] =	vst v63  }
0xa2: {  	(v2sf) =	vpush v1, $0xF;
	s26 =	spop (v2sf);
	s0 =	sadd.s32 s3, s15;
	s24 =	sand.u32 $0x1FFFFFFE, s22  }
0xa3: {  	[tilespmem:s23], [sflag:$0x1] =	stream.linear.gather [hbm4b:s0+s2], $0x10, $0x38;
	[tilespmem:$0x15200] =	vst v63  }
0xa4: {  	s31 =	sadd.s32 s4, s25;
	s8 =	sshll.u32 s26, $0x1;
	s29 =	rddreg [dreg:$0x9]  }
0xa5: {  	[tilespmem:s29], [sflag:$0x2] =	stream.linear.gather [hbm4b:s21+s2], $0x8, $0x38;
	[tilespmem:$0x15200] =	vst v63  }
0xa6: {  	s11 =	sshrl.u32 s26, $0x3;
	s12 =	spop (v2sf);
	s0 =	sadd.s32 s3, s24  }
0xa7: {  	[tilespmem:s9], [sflag:$0x1] =	stream.linear.gather [hbm4b:s0+s2], $0x10, $0x38;
	[tilespmem:$0x15200] =	vst v63  }
0xa8: {  	s26 =	rddreg [dreg:$0x3];
	s10 =	sand.u32 $0x1FFFFFFE, s8;
	s15 =	sshll.u32 s12, $0x1  }
0xa9: {  	[tilespmem:s30], [sflag:$0x2] =	stream.linear.gather [hbm4b:s31+s2], $0x8, $0x38;
	[tilespmem:$0x15200] =	vst v63  }
0xaa: {  	s13 =	sadd.s32 s4, s11;
	s17 =	sand.u32 $0x1FFFFFFE, s15;
	s0 =	sadd.s32 s3, s10  }
0xab: {  	[tilespmem:s16], [sflag:$0x1] =	stream.linear.gather [hbm4b:s0+s2], $0x10, $0x38;
	[tilespmem:$0x15200] =	vst v63  }
0xac: {  	s23 =	rddreg [dreg:$0x7];
	s21 =	sshrl.u32 s12, $0x3;
	s22 =	spop (v2sf)  }
0xad: {  	[tilespmem:s23], [sflag:$0x2] =	stream.linear.gather [hbm4b:s13+s2], $0x8, $0x38;
	[tilespmem:$0x15200] =	vst v63  }
0xae: {  	s29 =	rddreg [dreg:$0x5];
	s24 =	sadd.s32 s4, s21;
	s0 =	sadd.s32 s3, s17  }
0xaf: {  	[tilespmem:s26], [sflag:$0x1] =	stream.linear.gather [hbm4b:s0+s2], $0x10, $0x38;
	[tilespmem:$0x15200] =	vst v63  }
.Ltmp0:
0xb0: {  	s25 =	sshll.u32 s22, $0x1;
	s6 =	sshrl.u32 s22, $0x3;
	(pc) =	sbr.rel @p0 .LBB2_2-.Ltmp0, $4  }
0xb1: {  	s5 =	sand.u32 $0x1FFFFFFE, s25;
	s1 =	sadd.s32 s4, s6;
	s0 =	spop (v2sf)  }
0xb2: {  	[tilespmem:s29], [sflag:$0x2] =	stream.linear.gather [hbm4b:s24+s2], $0x8, $0x38;
	[tilespmem:$0x15200] =	vst v63  }
0xb3: {  	s30 =	sadd.s32 s3, s5;
	s31 =	rddreg [dreg:$0x2];
	s5 =	sshll.u32 s0, $0x1  }
0xb4: {  	[tilespmem:s31], [sflag:$0x1] =	stream.linear.gather [hbm4b:s30+s2], $0x10, $0x38;
	[tilespmem:$0x15200] =	vst v63  }
0xb5: {  	s6 =	sadd.s32 $0xDD70, s20;
	s5 =	sand.u32 $0x1FFFFFFE, s5  }
0xb6: {  	[tilespmem:s6], [sflag:$0x2] =	stream.linear.gather [hbm4b:s1+s2], $0x8, $0x38;
	[tilespmem:$0x15200] =	vst v63  }
0xb7: {  	s0 =	sshrl.u32 s0, $0x3;
	s26 =	sadd.s32 s3, s5  }
0xb8: {  	[tilespmem:s14], [sflag:$0x1] =	stream.linear.gather [hbm4b:s26+s2], $0x10, $0x38;
	[tilespmem:$0x15200] =	vst v63  }
0xb9: {  	s28 =	sadd.s32 $0xDD78, s20;
	s29 =	simm.s32 $0x1;
	s0 =	sadd.s32 s4, s0  }
0xba: {  	[tilespmem:s28], [sflag:$0x2] =	stream.linear.gather [hbm4b:s0+s2], $0x8, $0x38;
	[tilespmem:$0x15200] =	vst v63  }
0xbb: {  	_ =	swait.ge [sflag:s29], $0xD000  }
0xbc: {  	[sflag:s29] =	ssyncset.done $0x0  }
0xbd: {  	s30 =	simm.s32 $0x2;
	[sflag:s29] =	ssyncadd.s32 $0xFFFF3000  }
0xbe: {  	_ =	swait.ge [sflag:s30], $0x6800  }
0xbf: {  	[sflag:s30] =	ssyncset.done $0x0  }
0xc0: {  	s31 =	simm.s32 $0x0;
	[sflag:s30] =	ssyncadd.s32 $0xFFFF9800  }
0xc1: {  	v1 =	vld [tilespmem:s31+$0x0];
	_ =	sdelay $0x2  }
0xc2: {  	v2 =	vmov s31  }
0xc3: {  	v2 =	vshll.u32 v2, $0x3  }
0xc4: {  	v2 =	vor.u32 v0, v2;
	v1 =	vand.u32 $0x7, v1  }
0xc5: {  	v1 =	vor.u32 v2, v1;
	_ =	sdelay $0x3  }
0xc6: {  	s7 =	simm.s32 $0xDD00  }
0xc7: {  	v1 =	vld.idx.msk [tilespmem:v1+s7+$0x0], $0xffff;
	_ =	sdelay $0x3  }
0xc8: {  	s0 =	simm.s32 $0x14500  }
0xc9: {  	s1 =	simm.s32 $0x10;
	[tilespmem:s0+$0x0] =	vst v1  }
0xca: {  	s5 =	simm.s32 $0x20;
	s6 =	simm.s32 $0x10;
	v1 =	vld [tilespmem:s1+$0x0]  }
.LBB2_4:
0xcb: {  	p0 =	sne.s32 s5, $0xCF0;
	_ =	sdelay $0x1  }
0xcc: {  	v2 =	vmov s1;
	s1 =	smov.u32 s5  }
0xcd: {  	v2 =	vshll.u32 v2, $0x3  }
0xce: {  	v2 =	vor.u32 v0, v2;
	v1 =	vand.u32 $0x7, v1  }
0xcf: {  	v1 =	vor.u32 v2, v1;
	_ =	sdelay $0x4  }
0xd0: {  	v1 =	vld.idx.msk [tilespmem:v1+s7+$0x0], $0xffff;
	_ =	sdelay $0x2  }
.Ltmp1:
0xd1: {  	(pc) =	sbr.rel @p0 .LBB2_4-.Ltmp1, $4  }
0xd2: {  	_ = 	snop  }
0xd3: {  	s0 =	sadd.s32 $0x10, s0  }
0xd4: {  	s6 =	sadd.s32 $0x10, s6;
	[tilespmem:s0+$0x0] =	vst v1  }
0xd5: {  	s5 =	sadd.s32 $0x10, s5;
	v1 =	vld [tilespmem:s6+$0x0]  }
0xd6: {  	_ =	sdelay $0x1  }
0xd7: {  	v2 =	vmov s1  }
0xd8: {  	v2 =	vshll.u32 v2, $0x3  }
0xd9: {  	v2 =	vor.u32 v0, v2;
	v1 =	vand.u32 $0x7, v1  }
0xda: {  	v1 =	vor.u32 v2, v1;
	_ =	sdelay $0x4  }
0xdb: {  	v1 =	vld.idx.msk [tilespmem:v1+s7+$0x0], $0xffff;
	_ =	sdelay $0x3  }
0xdc: {  	s0 =	sadd.s32 $0x10, s0  }
0xdd: {  	s28 =	rddreg [dreg:$0xb];
	s9 =	simm.s32 $0xD00;
	s1 =	simm.s32 $0x3;
	[tilespmem:s0+$0x0] =	vst v1  }
0xde: {  	[hbm4b:s28+s2] =	stream.linear.scatter [tilespmem:s9], [sflag:$0x3], $0xD000, $0x38;
	[tilespmem:$0x15200] =	vst v63  }
0xdf: {  	_ =	swait.ge [sflag:s1], $0xD000  }
0xe0: {  	[sflag:s1] =	ssyncset.done $0x0  }
0xe1: {  	s5 =	simm.s32 $0x14500;
	s29 =	rddreg [dreg:$0xc];
	[sflag:s1] =	ssyncadd.s32 $0xFFFF3000  }
0xe2: {  	[hbm4b:s29+s2] =	stream.linear.scatter [tilespmem:s5], [sflag:$0x3], $0xD00, $0x38;
	[tilespmem:$0x15200] =	vst v63  }
0xe3: {  	_ =	swait.ge [sflag:s1], $0xD00  }
0xe4: {  	s30 =	rddreg [dreg:$0xe]  }
0xe5: {  	s31 =	rddreg [dreg:$0xd];
	s5 =	sadd.s32 $0x1, s30  }
0xe6: {  	p0 =	sne.s32 s5, s31  }
.Ltmp2:
0xe7: {  	_ = 	snop;
	(pc) =	sbr.rel @p0 .LBB2_1-.Ltmp2, $3  }
0xe8: {  	_ =	sdelay $0x1  }
0xe9: {  	[sflag:s1] =	ssyncset.done $0x0  }
0xea: {  	[sflag:s1] =	ssyncadd.s32 $0xFFFFF300  }
0xeb: {  	_ =	sfence.sel $0x180000  }
0xec: {  	[bflag:$0x0] =	sbarrier.arrive $0xFFFF  }
0xed: {  	_ =	strace $0x90000047  }
0xee: {  	s0 =	stileid.u32;
	[bflag:$0x2] =	sbarrier.arrive $0xFFFF  }
0xef: {  	p0 =	sne.s32 s0, $0x0;
	s0 =	rddreg [dreg:$0x1]  }
0xf0: {  	s0 =	sadd.s32 @!p0 $0x100000, s0  }
0xf1: {  	[sflag:s0] =	ssyncadd.tile.s32 @!p0 $0x1;
	_ =	shalt  }
.Lfunc_end2:
_tile_overlayer_lowered:
.L_overlay_start_2:
0xf2: {  	(tag) =	ssettag $0x2  }
0xf3: {  	s0 =	rddreg [dreg:$0x0];
	s2 =	stileid.u32  }
0xf4: {  	s1 =	rddreg [dreg:$0x1];
	p0 =	sne.s32 s2, $0x0  }
0xf5: {  	s3 =	rddreg [dreg:$0x2];
	[bflag:$0x3] =	sbarrier.arrive $0xFFFF;
	s2 =	simm.s32 @!p0 $0x1C03  }
0xf6: {  	[timem:s3], [sflag:s2] =	dma.local @!p0 [hbm:s0], s1  }
0xf7: {  	s0 =	simm.s32 @!p0 $0x3  }
0xf8: {  	_ =	swait.ge @!p0 [sflag:s0], s1  }
0xf9: {  	s1 =	ssub.s32 @!p0 $0x0, s1;
	[sflag:s0] =	ssyncset.done @!p0 $0x0  }
0xfa: {  	[sflag:s0] =	ssyncadd.s32 @!p0 s1  }
0xfb: {  	[bflag:$0x3] =	sbarrier.arrive $0xFFFF  }
0xfc: {  	_ =	shalt  }

</sc_bundles>
